<compile_context>
chip_gen: v7x
topology: tpu7x:2x2x1
jax: 0.10.2.dev20260603
libtpu: 0.0.44.dev20260713+nightly
codegen_flags: <defaults>
</compile_context>

<pallas_src>
import functools

import jax
import jax.numpy as jnp
from jax import lax
from jax.experimental import pallas as pl
from jax.experimental.pallas import tpu as pltpu
from jax.experimental.pallas import tpu_sc as plsc

N_ELECTRODES = 100000
EMBED_DIM = 128

NUM_WORKERS = 32
CHUNK = 128
FULL_CHUNKS = 24
SMALL_ROWS = 3120
BIG_ROWS = 3128
NUM_SMALL = 12
BIG_TAIL = BIG_ROWS - FULL_CHUNKS * CHUNK
SMALL_TAIL = SMALL_ROWS - FULL_CHUNKS * CHUNK
NBUF = 4

_mesh = plsc.VectorSubcoreMesh(core_axis_name="c", subcore_axis_name="s")


@functools.partial(
    pl.kernel,
    out_type=jax.ShapeDtypeStruct((N_ELECTRODES, EMBED_DIM), jnp.float32),
    mesh=_mesh,
    scratch_types=[
        pltpu.VMEM((BIG_ROWS,), jnp.int32),
        pltpu.VMEM((NBUF, CHUNK, EMBED_DIM), jnp.float32),
        pltpu.VMEM((BIG_TAIL, EMBED_DIM), jnp.float32),
        pltpu.SemaphoreType.DMA,
        pltpu.SemaphoreType.DMA,
        pltpu.SemaphoreType.DMA,
        pltpu.SemaphoreType.DMA,
        pltpu.SemaphoreType.DMA,
        pltpu.SemaphoreType.DMA,
        pltpu.SemaphoreType.DMA,
        pltpu.SemaphoreType.DMA,
        pltpu.SemaphoreType.DMA,
        pltpu.SemaphoreType.DMA,
    ],
)
def _gather_kernel(table_hbm, idx_hbm, out_hbm, idx_v, bufs, tail_buf,
                   g0, g1, g2, g3, w0, w1, w2, w3, gt, wt):
    wid = lax.axis_index("s") * 2 + lax.axis_index("c")
    is_big = wid >= NUM_SMALL
    base = jnp.where(is_big,
                     NUM_SMALL * SMALL_ROWS + (wid - NUM_SMALL) * BIG_ROWS,
                     wid * SMALL_ROWS)

    pltpu.sync_copy(idx_hbm.at[pl.ds(base, BIG_ROWS)], idx_v)

    gsems = (g0, g1, g2, g3)
    wsems = (w0, w1, w2, w3)

    def gather_start(j, b):
        pltpu.async_copy(table_hbm.at[idx_v.at[pl.ds(j * CHUNK, CHUNK)]],
                         bufs.at[b], gsems[b])

    def gather_wait(b):
        pltpu.make_async_copy(table_hbm.at[idx_v.at[pl.ds(0, CHUNK)]],
                              bufs.at[b], gsems[b]).wait()

    def write_start(j, b):
        pltpu.async_copy(bufs.at[b],
                         out_hbm.at[pl.ds(base + j * CHUNK, CHUNK)], wsems[b])

    def write_wait(b):
        pltpu.make_async_copy(bufs.at[b], out_hbm.at[pl.ds(base, CHUNK)],
                              wsems[b]).wait()

    pltpu.async_copy(table_hbm.at[idx_v.at[pl.ds(FULL_CHUNKS * CHUNK,
                                                 BIG_TAIL)]], tail_buf, gt)

    for j in range(NBUF - 1):
        gather_start(j, j)

    def chunk_body(jj, k):
        b = k % NBUF
        bg = (k + NBUF - 1) % NBUF

        @pl.when(jj >= 1)
        def _():
            write_wait(bg)

        @pl.when(jj + NBUF - 1 < FULL_CHUNKS)
        def _():
            gather_start(jj + NBUF - 1, bg)

        gather_wait(b)
        write_start(jj, b)

    def outer(i, carry):
        jj0 = i * NBUF
        for k in range(NBUF):
            chunk_body(jj0 + k, k)
        return carry

    lax.fori_loop(0, FULL_CHUNKS // NBUF, outer, 0)

    write_wait((FULL_CHUNKS - 1) % NBUF)

    pltpu.make_async_copy(table_hbm.at[idx_v.at[pl.ds(0, BIG_TAIL)]],
                          tail_buf, gt).wait()
    tail_off = base + FULL_CHUNKS * CHUNK

    @pl.when(is_big)
    def _():
        pltpu.async_copy(tail_buf, out_hbm.at[pl.ds(tail_off, BIG_TAIL)], wt)
        pltpu.make_async_copy(tail_buf, out_hbm.at[pl.ds(0, BIG_TAIL)],
                              wt).wait()

    @pl.when(jnp.logical_not(is_big))
    def _():
        pltpu.async_copy(tail_buf.at[pl.ds(0, SMALL_TAIL)],
                         out_hbm.at[pl.ds(tail_off, SMALL_TAIL)], wt)
        pltpu.make_async_copy(tail_buf.at[pl.ds(0, SMALL_TAIL)],
                              out_hbm.at[pl.ds(0, SMALL_TAIL)], wt).wait()


def kernel(table, permutation, subject_id=0):
    return _gather_kernel(table, permutation.astype(jnp.int32))

# --- scband reference (transcript-rebuilt; emitter-appended) ---
"""Pipeline reference for scband-electrode-embeddings-11716670783625 (READ-ONLY COPY).

The authoritative reference and input builder live on the scoring server;
editing this copy changes nothing except your own understanding.
"""

import jax, jax.numpy as jnp
import numpy as np

N_ELECTRODES = 100000
EMBED_DIM = 128

def setup_inputs(seed: int = 0) -> dict:
    key = jax.random.key(seed)
    k_tab, k_perm = jax.random.split(key)
    # electrode embedding table, initialized 'normal': randn / sqrt(embedding_dim)
    table = jax.random.normal(k_tab, (N_ELECTRODES, EMBED_DIM), dtype=jnp.float32) / (EMBED_DIM ** 0.5)
    permutation = jax.random.randint(k_perm, (N_ELECTRODES,), 0, N_ELECTRODES, dtype=jnp.int64 if jax.config.jax_enable_x64 else jnp.int32)
    return {"table": table, "permutation": permutation, "subject_id": 0}

def reference(table, permutation, subject_id=0):
    # subject_id selects which per-subject table to use; single-subject stub here.
    # electrode_emb = self.electrode_emb[str(subject_id)]
    electrode_emb = table
    # electrode_emb = electrode_emb[permutation]
    electrode_emb = jnp.take(electrode_emb, permutation, axis=0)
    # embedding_dim == d_model -> linear_embed is identity lambda
    return electrode_emb

if __name__ == "__main__":
    import jax
    _d = setup_inputs()
    print(jax.jit(kernel)(*tuple(_d.values())))

</pallas_src>

<mosaic_0001>
#map = affine_map<(d0, d1) -> (0, 0)>
#map1 = affine_map<(d0, d1) -> (0)>
module attributes {stable_mosaic.version = 14 : i64} {
  func.func @_gather_kernel(%arg0: i32, %arg1: i32, %arg2: memref<100000x128xf32, #tpu.memory_space<hbm>>, %arg3: memref<100000xi32, #tpu.memory_space<hbm>>, %arg4: memref<100000x128xf32, #tpu.memory_space<hbm>>, %arg5: memref<3128xi32, #tpu.memory_space<vmem>>, %arg6: memref<4x128x128xf32, #tpu.memory_space<vmem>>, %arg7: memref<56x128xf32, #tpu.memory_space<vmem>>, %arg8: memref<!tpu.dma_semaphore, #tpu.memory_space<semaphore_mem>>, %arg9: memref<!tpu.dma_semaphore, #tpu.memory_space<semaphore_mem>>, %arg10: memref<!tpu.dma_semaphore, #tpu.memory_space<semaphore_mem>>, %arg11: memref<!tpu.dma_semaphore, #tpu.memory_space<semaphore_mem>>, %arg12: memref<!tpu.dma_semaphore, #tpu.memory_space<semaphore_mem>>, %arg13: memref<!tpu.dma_semaphore, #tpu.memory_space<semaphore_mem>>, %arg14: memref<!tpu.dma_semaphore, #tpu.memory_space<semaphore_mem>>, %arg15: memref<!tpu.dma_semaphore, #tpu.memory_space<semaphore_mem>>, %arg16: memref<!tpu.dma_semaphore, #tpu.memory_space<semaphore_mem>>, %arg17: memref<!tpu.dma_semaphore, #tpu.memory_space<semaphore_mem>>) attributes {dimension_semantics = [#tpu.dimension_semantics<core_parallel>, #tpu.dimension_semantics<subcore_parallel>], iteration_bounds = array<i64: 2, 16>, scalar_prefetch = 0 : i64, scratch_operands = 13 : i64, tpu.core_type = #tpu.core_type<sc_vector_subcore>, window_params = [{transform_indices = #map}, {transform_indices = #map1}, {transform_indices = #map}]} {
    %mul3A = arith.constant 2 : i32
    %mul3A_0 = arith.muli %arg1, %mul3A : i32
    %add3A = arith.addi %mul3A_0, %arg0 : i32
    %ge3A = arith.constant 12 : i32
    %ge3A_1 = arith.cmpi sge, %add3A, %ge3A : i32
    %sub3A = arith.constant 12 : i32
    %sub3A_2 = arith.subi %add3A, %sub3A : i32
    %mul3A_3 = arith.constant 3128 : i32
    %mul3A_4 = arith.muli %sub3A_2, %mul3A_3 : i32
    %add3A_5 = arith.constant 37440 : i32
    %add3A_6 = arith.addi %add3A_5, %mul3A_4 : i32
    %mul3A_7 = arith.constant 3120 : i32
    %mul3A_8 = arith.muli %add3A, %mul3A_7 : i32
    %select_n3A = arith.select %ge3A_1, %add3A_6, %mul3A_8 : i32
    "tpu.region"() ({
      %run_scoped3A = tpu.sem_alloc : memref<!tpu.dma_semaphore, #tpu.memory_space<semaphore_mem>>
      %dma_start3A_72 = tpu.memref_slice %arg3[%select_n3A] : memref<100000xi32, #tpu.memory_space<hbm>> -> memref<3128xi32, #tpu.memory_space<hbm>>
      %dma_start3A_73 = tpu.memref_slice %arg3[%select_n3A] : memref<100000xi32, #tpu.memory_space<hbm>> -> memref<3128xi32, #tpu.memory_space<hbm>>
      tpu.enqueue_dma source(%dma_start3A_73 : memref<3128xi32, #tpu.memory_space<hbm>>) target(%arg5 : memref<3128xi32, #tpu.memory_space<vmem>>) target_semaphore(%run_scoped3A : memref<!tpu.dma_semaphore, #tpu.memory_space<semaphore_mem>>)
      %dma_wait3A_74 = tpu.memref_slice %arg3[%select_n3A] : memref<100000xi32, #tpu.memory_space<hbm>> -> memref<3128xi32, #tpu.memory_space<hbm>>
      %dma_wait3A_75 = tpu.memref_slice %arg3[%select_n3A] : memref<100000xi32, #tpu.memory_space<hbm>> -> memref<3128xi32, #tpu.memory_space<hbm>>
      tpu.wait_dma2 semaphore(%run_scoped3A : memref<!tpu.dma_semaphore, #tpu.memory_space<semaphore_mem>>) src(%dma_wait3A_75 : memref<3128xi32, #tpu.memory_space<hbm>>) dst(%arg5 : memref<3128xi32, #tpu.memory_space<vmem>>)
      tpu.yield
    }) : () -> ()
    %dma_start3A = arith.constant 3072 : i32
    %dma_start3A_9 = tpu.memref_slice %arg5[%dma_start3A] : memref<3128xi32, #tpu.memory_space<vmem>> -> memref<56xi32, #tpu.memory_space<vmem>>
    %dma_start3A_10 = arith.constant 0 : i32
    %dma_start3A_11 = arith.constant 0 : i32
    %dma_start3A_12 = tpu.memref_slice %arg2[%dma_start3A_10, %dma_start3A_11] : memref<100000x128xf32, #tpu.memory_space<hbm>> -> memref<100000x128xf32, #tpu.memory_space<hbm>>
    tpu.enqueue_indirect_dma source(%dma_start3A_12 : memref<100000x128xf32, #tpu.memory_space<hbm>>) target(%arg7 : memref<56x128xf32, #tpu.memory_space<vmem>>) offsets(%dma_start3A_9 : memref<56xi32, #tpu.memory_space<vmem>>) semaphore(%arg16 : memref<!tpu.dma_semaphore, #tpu.memory_space<semaphore_mem>>)
    %dma_start3A_13 = arith.constant 0 : i32
    %dma_start3A_14 = arith.constant 0 : i32
    %dma_start3A_15 = arith.constant 0 : i32
    %dma_start3A_16 = tpu.memref_slice %arg6[%dma_start3A_13, %dma_start3A_14, %dma_start3A_15] : memref<4x128x128xf32, #tpu.memory_space<vmem>> -> memref<1x128x128xf32, #tpu.memory_space<vmem>>
    %dma_start3A_17 = tpu.memref_squeeze %dma_start3A_16 : memref<1x128x128xf32, #tpu.memory_space<vmem>> -> memref<128x128xf32, #tpu.memory_space<vmem>>
    %dma_start3A_18 = arith.constant 0 : i32
    %dma_start3A_19 = tpu.memref_slice %arg5[%dma_start3A_18] : memref<3128xi32, #tpu.memory_space<vmem>> -> memref<128xi32, #tpu.memory_space<vmem>>
    %dma_start3A_20 = arith.constant 0 : i32
    %dma_start3A_21 = arith.constant 0 : i32
    %dma_start3A_22 = tpu.memref_slice %arg2[%dma_start3A_20, %dma_start3A_21] : memref<100000x128xf32, #tpu.memory_space<hbm>> -> memref<100000x128xf32, #tpu.memory_space<hbm>>
    tpu.enqueue_indirect_dma source(%dma_start3A_22 : memref<100000x128xf32, #tpu.memory_space<hbm>>) target(%dma_start3A_17 : memref<128x128xf32, #tpu.memory_space<vmem>>) offsets(%dma_start3A_19 : memref<128xi32, #tpu.memory_space<vmem>>) semaphore(%arg8 : memref<!tpu.dma_semaphore, #tpu.memory_space<semaphore_mem>>)
    %dma_start3A_23 = arith.constant 1 : i32
    %dma_start3A_24 = arith.constant 0 : i32
    %dma_start3A_25 = arith.constant 0 : i32
    %dma_start3A_26 = tpu.memref_slice %arg6[%dma_start3A_23, %dma_start3A_24, %dma_start3A_25] : memref<4x128x128xf32, #tpu.memory_space<vmem>> -> memref<1x128x128xf32, #tpu.memory_space<vmem>>
    %dma_start3A_27 = tpu.memref_squeeze %dma_start3A_26 : memref<1x128x128xf32, #tpu.memory_space<vmem>> -> memref<128x128xf32, #tpu.memory_space<vmem>>
    %dma_start3A_28 = arith.constant 128 : i32
    %dma_start3A_29 = tpu.memref_slice %arg5[%dma_start3A_28] : memref<3128xi32, #tpu.memory_space<vmem>> -> memref<128xi32, #tpu.memory_space<vmem>>
    %dma_start3A_30 = arith.constant 0 : i32
    %dma_start3A_31 = arith.constant 0 : i32
    %dma_start3A_32 = tpu.memref_slice %arg2[%dma_start3A_30, %dma_start3A_31] : memref<100000x128xf32, #tpu.memory_space<hbm>> -> memref<100000x128xf32, #tpu.memory_space<hbm>>
    tpu.enqueue_indirect_dma source(%dma_start3A_32 : memref<100000x128xf32, #tpu.memory_space<hbm>>) target(%dma_start3A_27 : memref<128x128xf32, #tpu.memory_space<vmem>>) offsets(%dma_start3A_29 : memref<128xi32, #tpu.memory_space<vmem>>) semaphore(%arg9 : memref<!tpu.dma_semaphore, #tpu.memory_space<semaphore_mem>>)
    %dma_start3A_33 = arith.constant 2 : i32
    %dma_start3A_34 = arith.constant 0 : i32
    %dma_start3A_35 = arith.constant 0 : i32
    %dma_start3A_36 = tpu.memref_slice %arg6[%dma_start3A_33, %dma_start3A_34, %dma_start3A_35] : memref<4x128x128xf32, #tpu.memory_space<vmem>> -> memref<1x128x128xf32, #tpu.memory_space<vmem>>
    %dma_start3A_37 = tpu.memref_squeeze %dma_start3A_36 : memref<1x128x128xf32, #tpu.memory_space<vmem>> -> memref<128x128xf32, #tpu.memory_space<vmem>>
    %dma_start3A_38 = arith.constant 256 : i32
    %dma_start3A_39 = tpu.memref_slice %arg5[%dma_start3A_38] : memref<3128xi32, #tpu.memory_space<vmem>> -> memref<128xi32, #tpu.memory_space<vmem>>
    %dma_start3A_40 = arith.constant 0 : i32
    %dma_start3A_41 = arith.constant 0 : i32
    %dma_start3A_42 = tpu.memref_slice %arg2[%dma_start3A_40, %dma_start3A_41] : memref<100000x128xf32, #tpu.memory_space<hbm>> -> memref<100000x128xf32, #tpu.memory_space<hbm>>
    tpu.enqueue_indirect_dma source(%dma_start3A_42 : memref<100000x128xf32, #tpu.memory_space<hbm>>) target(%dma_start3A_37 : memref<128x128xf32, #tpu.memory_space<vmem>>) offsets(%dma_start3A_39 : memref<128xi32, #tpu.memory_space<vmem>>) semaphore(%arg10 : memref<!tpu.dma_semaphore, #tpu.memory_space<semaphore_mem>>)
    %scan3A = arith.constant 0 : i32
    %scan3A_43 = arith.constant 0 : i32
    %scan3A_44 = arith.constant 6 : i32
    %scan3A_45 = arith.addi %scan3A_43, %scan3A_44 : i32
    %scan3A_46 = arith.constant 1 : i32
    scf.for %scan3A_72 = %scan3A_43 to %scan3A_45 step %scan3A_46  : i32 {
      %mul3A_73 = arith.constant 4 : i32
      %mul3A_74 = arith.muli %scan3A_72, %mul3A_73 : i32
      %add3A_75 = arith.constant 0 : i32
      %add3A_76 = arith.addi %mul3A_74, %add3A_75 : i32
      %ge3A_77 = arith.constant 1 : i32
      %ge3A_78 = arith.cmpi sge, %add3A_76, %ge3A_77 : i32
      %convert_element_type3A_79 = arith.extui %ge3A_78 : i1 to i32
      %cond3A_80 = arith.constant 0 : i32
      %cond3A_81 = arith.cmpi ne, %convert_element_type3A_79, %cond3A_80 : i32
      scf.if %cond3A_81 {
        %dma_wait3A_242 = arith.constant 3 : i32
        %dma_wait3A_243 = arith.constant 0 : i32
        %dma_wait3A_244 = arith.constant 0 : i32
        %dma_wait3A_245 = tpu.memref_slice %arg6[%dma_wait3A_242, %dma_wait3A_243, %dma_wait3A_244] : memref<4x128x128xf32, #tpu.memory_space<vmem>> -> memref<1x128x128xf32, #tpu.memory_space<vmem>>
        %dma_wait3A_246 = tpu.memref_squeeze %dma_wait3A_245 : memref<1x128x128xf32, #tpu.memory_space<vmem>> -> memref<128x128xf32, #tpu.memory_space<vmem>>
        %dma_wait3A_247 = arith.constant 0 : i32
        %dma_wait3A_248 = tpu.memref_slice %arg4[%select_n3A, %dma_wait3A_247] : memref<100000x128xf32, #tpu.memory_space<hbm>> -> memref<128x128xf32, #tpu.memory_space<hbm>>
        %dma_wait3A_249 = arith.constant 0 : i32
        %dma_wait3A_250 = tpu.memref_slice %arg4[%select_n3A, %dma_wait3A_249] : memref<100000x128xf32, #tpu.memory_space<hbm>> -> memref<128x128xf32, #tpu.memory_space<hbm>>
        %dma_wait3A_251 = arith.constant 0 : i32
        %dma_wait3A_252 = arith.constant 0 : i32
        %dma_wait3A_253 = tpu.memref_slice %arg6[%dma_wait3A_242, %dma_wait3A_251, %dma_wait3A_252] : memref<4x128x128xf32, #tpu.memory_space<vmem>> -> memref<1x128x128xf32, #tpu.memory_space<vmem>>
        %dma_wait3A_254 = tpu.memref_squeeze %dma_wait3A_253 : memref<1x128x128xf32, #tpu.memory_space<vmem>> -> memref<128x128xf32, #tpu.memory_space<vmem>>
        tpu.wait_dma2 semaphore(%arg15 : memref<!tpu.dma_semaphore, #tpu.memory_space<semaphore_mem>>) src(%dma_wait3A_254 : memref<128x128xf32, #tpu.memory_space<vmem>>) dst(%dma_wait3A_250 : memref<128x128xf32, #tpu.memory_space<hbm>>)
      } else {
      }
      %add3A_82 = arith.constant 4 : i32
      %add3A_83 = arith.addi %add3A_76, %add3A_82 : i32
      %sub3A_84 = arith.constant 1 : i32
      %sub3A_85 = arith.subi %add3A_83, %sub3A_84 : i32
      %lt3A = arith.constant 24 : i32
      %lt3A_86 = arith.cmpi slt, %sub3A_85, %lt3A : i32
      %convert_element_type3A_87 = arith.extui %lt3A_86 : i1 to i32
      %cond3A_88 = arith.constant 0 : i32
      %cond3A_89 = arith.cmpi ne, %convert_element_type3A_87, %cond3A_88 : i32
      scf.if %cond3A_89 {
        %add3A_242 = arith.constant 4 : i32
        %add3A_243 = arith.addi %add3A_76, %add3A_242 : i32
        %sub3A_244 = arith.constant 1 : i32
        %sub3A_245 = arith.subi %add3A_243, %sub3A_244 : i32
        %mul3A_246 = arith.constant 128 : i32
        %mul3A_247 = arith.muli %sub3A_245, %mul3A_246 : i32
        %dma_start3A_248 = arith.constant 3 : i32
        %dma_start3A_249 = arith.constant 0 : i32
        %dma_start3A_250 = arith.constant 0 : i32
        %dma_start3A_251 = tpu.memref_slice %arg6[%dma_start3A_248, %dma_start3A_249, %dma_start3A_250] : memref<4x128x128xf32, #tpu.memory_space<vmem>> -> memref<1x128x128xf32, #tpu.memory_space<vmem>>
        %dma_start3A_252 = tpu.memref_squeeze %dma_start3A_251 : memref<1x128x128xf32, #tpu.memory_space<vmem>> -> memref<128x128xf32, #tpu.memory_space<vmem>>
        %dma_start3A_253 = tpu.memref_slice %arg5[%mul3A_247] : memref<3128xi32, #tpu.memory_space<vmem>> -> memref<128xi32, #tpu.memory_space<vmem>>
        %dma_start3A_254 = arith.constant 0 : i32
        %dma_start3A_255 = arith.constant 0 : i32
        %dma_start3A_256 = tpu.memref_slice %arg2[%dma_start3A_254, %dma_start3A_255] : memref<100000x128xf32, #tpu.memory_space<hbm>> -> memref<100000x128xf32, #tpu.memory_space<hbm>>
        tpu.enqueue_indirect_dma source(%dma_start3A_256 : memref<100000x128xf32, #tpu.memory_space<hbm>>) target(%dma_start3A_252 : memref<128x128xf32, #tpu.memory_space<vmem>>) offsets(%dma_start3A_253 : memref<128xi32, #tpu.memory_space<vmem>>) semaphore(%arg11 : memref<!tpu.dma_semaphore, #tpu.memory_space<semaphore_mem>>)
      } else {
      }
      %dma_wait3A_90 = arith.constant 0 : i32
      %dma_wait3A_91 = arith.constant 0 : i32
      %dma_wait3A_92 = arith.constant 0 : i32
      %dma_wait3A_93 = tpu.memref_slice %arg6[%dma_wait3A_90, %dma_wait3A_91, %dma_wait3A_92] : memref<4x128x128xf32, #tpu.memory_space<vmem>> -> memref<1x128x128xf32, #tpu.memory_space<vmem>>
      %dma_wait3A_94 = tpu.memref_squeeze %dma_wait3A_93 : memref<1x128x128xf32, #tpu.memory_space<vmem>> -> memref<128x128xf32, #tpu.memory_space<vmem>>
      %dma_wait3A_95 = arith.constant 0 : i32
      %dma_wait3A_96 = tpu.memref_slice %arg5[%dma_wait3A_95] : memref<3128xi32, #tpu.memory_space<vmem>> -> memref<128xi32, #tpu.memory_space<vmem>>
      %dma_wait3A_97 = arith.constant 0 : i32
      %dma_wait3A_98 = arith.constant 0 : i32
      %dma_wait3A_99 = tpu.memref_slice %arg2[%dma_wait3A_97, %dma_wait3A_98] : memref<100000x128xf32, #tpu.memory_space<hbm>> -> memref<100000x128xf32, #tpu.memory_space<hbm>>
      tpu.wait_indirect_dma semaphore(%arg8 : memref<!tpu.dma_semaphore, #tpu.memory_space<semaphore_mem>>) src(%dma_wait3A_99 : memref<100000x128xf32, #tpu.memory_space<hbm>>) dst(%dma_wait3A_94 : memref<128x128xf32, #tpu.memory_space<vmem>>)
      %mul3A_100 = arith.constant 128 : i32
      %mul3A_101 = arith.muli %add3A_76, %mul3A_100 : i32
      %add3A_102 = arith.addi %select_n3A, %mul3A_101 : i32
      %dma_start3A_103 = arith.constant 0 : i32
      %dma_start3A_104 = arith.constant 0 : i32
      %dma_start3A_105 = arith.constant 0 : i32
      %dma_start3A_106 = tpu.memref_slice %arg6[%dma_start3A_103, %dma_start3A_104, %dma_start3A_105] : memref<4x128x128xf32, #tpu.memory_space<vmem>> -> memref<1x128x128xf32, #tpu.memory_space<vmem>>
      %dma_start3A_107 = tpu.memref_squeeze %dma_start3A_106 : memref<1x128x128xf32, #tpu.memory_space<vmem>> -> memref<128x128xf32, #tpu.memory_space<vmem>>
      %dma_start3A_108 = arith.constant 0 : i32
      %dma_start3A_109 = tpu.memref_slice %arg4[%add3A_102, %dma_start3A_108] : memref<100000x128xf32, #tpu.memory_space<hbm>> -> memref<128x128xf32, #tpu.memory_space<hbm>>
      %dma_start3A_110 = arith.constant 0 : i32
      %dma_start3A_111 = tpu.memref_slice %arg4[%add3A_102, %dma_start3A_110] : memref<100000x128xf32, #tpu.memory_space<hbm>> -> memref<128x128xf32, #tpu.memory_space<hbm>>
      %dma_start3A_112 = arith.constant 0 : i32
      %dma_start3A_113 = arith.constant 0 : i32
      %dma_start3A_114 = tpu.memref_slice %arg6[%dma_start3A_103, %dma_start3A_112, %dma_start3A_113] : memref<4x128x128xf32, #tpu.memory_space<vmem>> -> memref<1x128x128xf32, #tpu.memory_space<vmem>>
      %dma_start3A_115 = tpu.memref_squeeze %dma_start3A_114 : memref<1x128x128xf32, #tpu.memory_space<vmem>> -> memref<128x128xf32, #tpu.memory_space<vmem>>
      tpu.enqueue_dma source(%dma_start3A_115 : memref<128x128xf32, #tpu.memory_space<vmem>>) target(%dma_start3A_111 : memref<128x128xf32, #tpu.memory_space<hbm>>) target_semaphore(%arg12 : memref<!tpu.dma_semaphore, #tpu.memory_space<semaphore_mem>>)
      %add3A_116 = arith.constant 1 : i32
      %add3A_117 = arith.addi %mul3A_74, %add3A_116 : i32
      %ge3A_118 = arith.constant 1 : i32
      %ge3A_119 = arith.cmpi sge, %add3A_117, %ge3A_118 : i32
      %convert_element_type3A_120 = arith.extui %ge3A_119 : i1 to i32
      %cond3A_121 = arith.constant 0 : i32
      %cond3A_122 = arith.cmpi ne, %convert_element_type3A_120, %cond3A_121 : i32
      scf.if %cond3A_122 {
        %dma_wait3A_242 = arith.constant 0 : i32
        %dma_wait3A_243 = arith.constant 0 : i32
        %dma_wait3A_244 = arith.constant 0 : i32
        %dma_wait3A_245 = tpu.memref_slice %arg6[%dma_wait3A_242, %dma_wait3A_243, %dma_wait3A_244] : memref<4x128x128xf32, #tpu.memory_space<vmem>> -> memref<1x128x128xf32, #tpu.memory_space<vmem>>
        %dma_wait3A_246 = tpu.memref_squeeze %dma_wait3A_245 : memref<1x128x128xf32, #tpu.memory_space<vmem>> -> memref<128x128xf32, #tpu.memory_space<vmem>>
        %dma_wait3A_247 = arith.constant 0 : i32
        %dma_wait3A_248 = tpu.memref_slice %arg4[%select_n3A, %dma_wait3A_247] : memref<100000x128xf32, #tpu.memory_space<hbm>> -> memref<128x128xf32, #tpu.memory_space<hbm>>
        %dma_wait3A_249 = arith.constant 0 : i32
        %dma_wait3A_250 = tpu.memref_slice %arg4[%select_n3A, %dma_wait3A_249] : memref<100000x128xf32, #tpu.memory_space<hbm>> -> memref<128x128xf32, #tpu.memory_space<hbm>>
        %dma_wait3A_251 = arith.constant 0 : i32
        %dma_wait3A_252 = arith.constant 0 : i32
        %dma_wait3A_253 = tpu.memref_slice %arg6[%dma_wait3A_242, %dma_wait3A_251, %dma_wait3A_252] : memref<4x128x128xf32, #tpu.memory_space<vmem>> -> memref<1x128x128xf32, #tpu.memory_space<vmem>>
        %dma_wait3A_254 = tpu.memref_squeeze %dma_wait3A_253 : memref<1x128x128xf32, #tpu.memory_space<vmem>> -> memref<128x128xf32, #tpu.memory_space<vmem>>
        tpu.wait_dma2 semaphore(%arg12 : memref<!tpu.dma_semaphore, #tpu.memory_space<semaphore_mem>>) src(%dma_wait3A_254 : memref<128x128xf32, #tpu.memory_space<vmem>>) dst(%dma_wait3A_250 : memref<128x128xf32, #tpu.memory_space<hbm>>)
      } else {
      }
      %add3A_123 = arith.constant 4 : i32
      %add3A_124 = arith.addi %add3A_117, %add3A_123 : i32
      %sub3A_125 = arith.constant 1 : i32
      %sub3A_126 = arith.subi %add3A_124, %sub3A_125 : i32
      %lt3A_127 = arith.constant 24 : i32
      %lt3A_128 = arith.cmpi slt, %sub3A_126, %lt3A_127 : i32
      %convert_element_type3A_129 = arith.extui %lt3A_128 : i1 to i32
      %cond3A_130 = arith.constant 0 : i32
      %cond3A_131 = arith.cmpi ne, %convert_element_type3A_129, %cond3A_130 : i32
      scf.if %cond3A_131 {
        %add3A_242 = arith.constant 4 : i32
        %add3A_243 = arith.addi %add3A_117, %add3A_242 : i32
        %sub3A_244 = arith.constant 1 : i32
        %sub3A_245 = arith.subi %add3A_243, %sub3A_244 : i32
        %mul3A_246 = arith.constant 128 : i32
        %mul3A_247 = arith.muli %sub3A_245, %mul3A_246 : i32
        %dma_start3A_248 = arith.constant 0 : i32
        %dma_start3A_249 = arith.constant 0 : i32
        %dma_start3A_250 = arith.constant 0 : i32
        %dma_start3A_251 = tpu.memref_slice %arg6[%dma_start3A_248, %dma_start3A_249, %dma_start3A_250] : memref<4x128x128xf32, #tpu.memory_space<vmem>> -> memref<1x128x128xf32, #tpu.memory_space<vmem>>
        %dma_start3A_252 = tpu.memref_squeeze %dma_start3A_251 : memref<1x128x128xf32, #tpu.memory_space<vmem>> -> memref<128x128xf32, #tpu.memory_space<vmem>>
        %dma_start3A_253 = tpu.memref_slice %arg5[%mul3A_247] : memref<3128xi32, #tpu.memory_space<vmem>> -> memref<128xi32, #tpu.memory_space<vmem>>
        %dma_start3A_254 = arith.constant 0 : i32
        %dma_start3A_255 = arith.constant 0 : i32
        %dma_start3A_256 = tpu.memref_slice %arg2[%dma_start3A_254, %dma_start3A_255] : memref<100000x128xf32, #tpu.memory_space<hbm>> -> memref<100000x128xf32, #tpu.memory_space<hbm>>
        tpu.enqueue_indirect_dma source(%dma_start3A_256 : memref<100000x128xf32, #tpu.memory_space<hbm>>) target(%dma_start3A_252 : memref<128x128xf32, #tpu.memory_space<vmem>>) offsets(%dma_start3A_253 : memref<128xi32, #tpu.memory_space<vmem>>) semaphore(%arg8 : memref<!tpu.dma_semaphore, #tpu.memory_space<semaphore_mem>>)
      } else {
      }
      %dma_wait3A_132 = arith.constant 1 : i32
      %dma_wait3A_133 = arith.constant 0 : i32
      %dma_wait3A_134 = arith.constant 0 : i32
      %dma_wait3A_135 = tpu.memref_slice %arg6[%dma_wait3A_132, %dma_wait3A_133, %dma_wait3A_134] : memref<4x128x128xf32, #tpu.memory_space<vmem>> -> memref<1x128x128xf32, #tpu.memory_space<vmem>>
      %dma_wait3A_136 = tpu.memref_squeeze %dma_wait3A_135 : memref<1x128x128xf32, #tpu.memory_space<vmem>> -> memref<128x128xf32, #tpu.memory_space<vmem>>
      %dma_wait3A_137 = arith.constant 0 : i32
      %dma_wait3A_138 = tpu.memref_slice %arg5[%dma_wait3A_137] : memref<3128xi32, #tpu.memory_space<vmem>> -> memref<128xi32, #tpu.memory_space<vmem>>
      %dma_wait3A_139 = arith.constant 0 : i32
      %dma_wait3A_140 = arith.constant 0 : i32
      %dma_wait3A_141 = tpu.memref_slice %arg2[%dma_wait3A_139, %dma_wait3A_140] : memref<100000x128xf32, #tpu.memory_space<hbm>> -> memref<100000x128xf32, #tpu.memory_space<hbm>>
      tpu.wait_indirect_dma semaphore(%arg9 : memref<!tpu.dma_semaphore, #tpu.memory_space<semaphore_mem>>) src(%dma_wait3A_141 : memref<100000x128xf32, #tpu.memory_space<hbm>>) dst(%dma_wait3A_136 : memref<128x128xf32, #tpu.memory_space<vmem>>)
      %mul3A_142 = arith.constant 128 : i32
      %mul3A_143 = arith.muli %add3A_117, %mul3A_142 : i32
      %add3A_144 = arith.addi %select_n3A, %mul3A_143 : i32
      %dma_start3A_145 = arith.constant 1 : i32
      %dma_start3A_146 = arith.constant 0 : i32
      %dma_start3A_147 = arith.constant 0 : i32
      %dma_start3A_148 = tpu.memref_slice %arg6[%dma_start3A_145, %dma_start3A_146, %dma_start3A_147] : memref<4x128x128xf32, #tpu.memory_space<vmem>> -> memref<1x128x128xf32, #tpu.memory_space<vmem>>
      %dma_start3A_149 = tpu.memref_squeeze %dma_start3A_148 : memref<1x128x128xf32, #tpu.memory_space<vmem>> -> memref<128x128xf32, #tpu.memory_space<vmem>>
      %dma_start3A_150 = arith.constant 0 : i32
      %dma_start3A_151 = tpu.memref_slice %arg4[%add3A_144, %dma_start3A_150] : memref<100000x128xf32, #tpu.memory_space<hbm>> -> memref<128x128xf32, #tpu.memory_space<hbm>>
      %dma_start3A_152 = arith.constant 0 : i32
      %dma_start3A_153 = tpu.memref_slice %arg4[%add3A_144, %dma_start3A_152] : memref<100000x128xf32, #tpu.memory_space<hbm>> -> memref<128x128xf32, #tpu.memory_space<hbm>>
      %dma_start3A_154 = arith.constant 0 : i32
      %dma_start3A_155 = arith.constant 0 : i32
      %dma_start3A_156 = tpu.memref_slice %arg6[%dma_start3A_145, %dma_start3A_154, %dma_start3A_155] : memref<4x128x128xf32, #tpu.memory_space<vmem>> -> memref<1x128x128xf32, #tpu.memory_space<vmem>>
      %dma_start3A_157 = tpu.memref_squeeze %dma_start3A_156 : memref<1x128x128xf32, #tpu.memory_space<vmem>> -> memref<128x128xf32, #tpu.memory_space<vmem>>
      tpu.enqueue_dma source(%dma_start3A_157 : memref<128x128xf32, #tpu.memory_space<vmem>>) target(%dma_start3A_153 : memref<128x128xf32, #tpu.memory_space<hbm>>) target_semaphore(%arg13 : memref<!tpu.dma_semaphore, #tpu.memory_space<semaphore_mem>>)
      %add3A_158 = arith.constant 2 : i32
      %add3A_159 = arith.addi %mul3A_74, %add3A_158 : i32
      %ge3A_160 = arith.constant 1 : i32
      %ge3A_161 = arith.cmpi sge, %add3A_159, %ge3A_160 : i32
      %convert_element_type3A_162 = arith.extui %ge3A_161 : i1 to i32
      %cond3A_163 = arith.constant 0 : i32
      %cond3A_164 = arith.cmpi ne, %convert_element_type3A_162, %cond3A_163 : i32
      scf.if %cond3A_164 {
        %dma_wait3A_242 = arith.constant 1 : i32
        %dma_wait3A_243 = arith.constant 0 : i32
        %dma_wait3A_244 = arith.constant 0 : i32
        %dma_wait3A_245 = tpu.memref_slice %arg6[%dma_wait3A_242, %dma_wait3A_243, %dma_wait3A_244] : memref<4x128x128xf32, #tpu.memory_space<vmem>> -> memref<1x128x128xf32, #tpu.memory_space<vmem>>
        %dma_wait3A_246 = tpu.memref_squeeze %dma_wait3A_245 : memref<1x128x128xf32, #tpu.memory_space<vmem>> -> memref<128x128xf32, #tpu.memory_space<vmem>>
        %dma_wait3A_247 = arith.constant 0 : i32
        %dma_wait3A_248 = tpu.memref_slice %arg4[%select_n3A, %dma_wait3A_247] : memref<100000x128xf32, #tpu.memory_space<hbm>> -> memref<128x128xf32, #tpu.memory_space<hbm>>
        %dma_wait3A_249 = arith.constant 0 : i32
        %dma_wait3A_250 = tpu.memref_slice %arg4[%select_n3A, %dma_wait3A_249] : memref<100000x128xf32, #tpu.memory_space<hbm>> -> memref<128x128xf32, #tpu.memory_space<hbm>>
        %dma_wait3A_251 = arith.constant 0 : i32
        %dma_wait3A_252 = arith.constant 0 : i32
        %dma_wait3A_253 = tpu.memref_slice %arg6[%dma_wait3A_242, %dma_wait3A_251, %dma_wait3A_252] : memref<4x128x128xf32, #tpu.memory_space<vmem>> -> memref<1x128x128xf32, #tpu.memory_space<vmem>>
        %dma_wait3A_254 = tpu.memref_squeeze %dma_wait3A_253 : memref<1x128x128xf32, #tpu.memory_space<vmem>> -> memref<128x128xf32, #tpu.memory_space<vmem>>
        tpu.wait_dma2 semaphore(%arg13 : memref<!tpu.dma_semaphore, #tpu.memory_space<semaphore_mem>>) src(%dma_wait3A_254 : memref<128x128xf32, #tpu.memory_space<vmem>>) dst(%dma_wait3A_250 : memref<128x128xf32, #tpu.memory_space<hbm>>)
      } else {
      }
      %add3A_165 = arith.constant 4 : i32
      %add3A_166 = arith.addi %add3A_159, %add3A_165 : i32
      %sub3A_167 = arith.constant 1 : i32
      %sub3A_168 = arith.subi %add3A_166, %sub3A_167 : i32
      %lt3A_169 = arith.constant 24 : i32
      %lt3A_170 = arith.cmpi slt, %sub3A_168, %lt3A_169 : i32
      %convert_element_type3A_171 = arith.extui %lt3A_170 : i1 to i32
      %cond3A_172 = arith.constant 0 : i32
      %cond3A_173 = arith.cmpi ne, %convert_element_type3A_171, %cond3A_172 : i32
      scf.if %cond3A_173 {
        %add3A_242 = arith.constant 4 : i32
        %add3A_243 = arith.addi %add3A_159, %add3A_242 : i32
        %sub3A_244 = arith.constant 1 : i32
        %sub3A_245 = arith.subi %add3A_243, %sub3A_244 : i32
        %mul3A_246 = arith.constant 128 : i32
        %mul3A_247 = arith.muli %sub3A_245, %mul3A_246 : i32
        %dma_start3A_248 = arith.constant 1 : i32
        %dma_start3A_249 = arith.constant 0 : i32
        %dma_start3A_250 = arith.constant 0 : i32
        %dma_start3A_251 = tpu.memref_slice %arg6[%dma_start3A_248, %dma_start3A_249, %dma_start3A_250] : memref<4x128x128xf32, #tpu.memory_space<vmem>> -> memref<1x128x128xf32, #tpu.memory_space<vmem>>
        %dma_start3A_252 = tpu.memref_squeeze %dma_start3A_251 : memref<1x128x128xf32, #tpu.memory_space<vmem>> -> memref<128x128xf32, #tpu.memory_space<vmem>>
        %dma_start3A_253 = tpu.memref_slice %arg5[%mul3A_247] : memref<3128xi32, #tpu.memory_space<vmem>> -> memref<128xi32, #tpu.memory_space<vmem>>
        %dma_start3A_254 = arith.constant 0 : i32
        %dma_start3A_255 = arith.constant 0 : i32
        %dma_start3A_256 = tpu.memref_slice %arg2[%dma_start3A_254, %dma_start3A_255] : memref<100000x128xf32, #tpu.memory_space<hbm>> -> memref<100000x128xf32, #tpu.memory_space<hbm>>
        tpu.enqueue_indirect_dma source(%dma_start3A_256 : memref<100000x128xf32, #tpu.memory_space<hbm>>) target(%dma_start3A_252 : memref<128x128xf32, #tpu.memory_space<vmem>>) offsets(%dma_start3A_253 : memref<128xi32, #tpu.memory_space<vmem>>) semaphore(%arg9 : memref<!tpu.dma_semaphore, #tpu.memory_space<semaphore_mem>>)
      } else {
      }
      %dma_wait3A_174 = arith.constant 2 : i32
      %dma_wait3A_175 = arith.constant 0 : i32
      %dma_wait3A_176 = arith.constant 0 : i32
      %dma_wait3A_177 = tpu.memref_slice %arg6[%dma_wait3A_174, %dma_wait3A_175, %dma_wait3A_176] : memref<4x128x128xf32, #tpu.memory_space<vmem>> -> memref<1x128x128xf32, #tpu.memory_space<vmem>>
      %dma_wait3A_178 = tpu.memref_squeeze %dma_wait3A_177 : memref<1x128x128xf32, #tpu.memory_space<vmem>> -> memref<128x128xf32, #tpu.memory_space<vmem>>
      %dma_wait3A_179 = arith.constant 0 : i32
      %dma_wait3A_180 = tpu.memref_slice %arg5[%dma_wait3A_179] : memref<3128xi32, #tpu.memory_space<vmem>> -> memref<128xi32, #tpu.memory_space<vmem>>
      %dma_wait3A_181 = arith.constant 0 : i32
      %dma_wait3A_182 = arith.constant 0 : i32
      %dma_wait3A_183 = tpu.memref_slice %arg2[%dma_wait3A_181, %dma_wait3A_182] : memref<100000x128xf32, #tpu.memory_space<hbm>> -> memref<100000x128xf32, #tpu.memory_space<hbm>>
      tpu.wait_indirect_dma semaphore(%arg10 : memref<!tpu.dma_semaphore, #tpu.memory_space<semaphore_mem>>) src(%dma_wait3A_183 : memref<100000x128xf32, #tpu.memory_space<hbm>>) dst(%dma_wait3A_178 : memref<128x128xf32, #tpu.memory_space<vmem>>)
      %mul3A_184 = arith.constant 128 : i32
      %mul3A_185 = arith.muli %add3A_159, %mul3A_184 : i32
      %add3A_186 = arith.addi %select_n3A, %mul3A_185 : i32
      %dma_start3A_187 = arith.constant 2 : i32
      %dma_start3A_188 = arith.constant 0 : i32
      %dma_start3A_189 = arith.constant 0 : i32
      %dma_start3A_190 = tpu.memref_slice %arg6[%dma_start3A_187, %dma_start3A_188, %dma_start3A_189] : memref<4x128x128xf32, #tpu.memory_space<vmem>> -> memref<1x128x128xf32, #tpu.memory_space<vmem>>
      %dma_start3A_191 = tpu.memref_squeeze %dma_start3A_190 : memref<1x128x128xf32, #tpu.memory_space<vmem>> -> memref<128x128xf32, #tpu.memory_space<vmem>>
      %dma_start3A_192 = arith.constant 0 : i32
      %dma_start3A_193 = tpu.memref_slice %arg4[%add3A_186, %dma_start3A_192] : memref<100000x128xf32, #tpu.memory_space<hbm>> -> memref<128x128xf32, #tpu.memory_space<hbm>>
      %dma_start3A_194 = arith.constant 0 : i32
      %dma_start3A_195 = tpu.memref_slice %arg4[%add3A_186, %dma_start3A_194] : memref<100000x128xf32, #tpu.memory_space<hbm>> -> memref<128x128xf32, #tpu.memory_space<hbm>>
      %dma_start3A_196 = arith.constant 0 : i32
      %dma_start3A_197 = arith.constant 0 : i32
      %dma_start3A_198 = tpu.memref_slice %arg6[%dma_start3A_187, %dma_start3A_196, %dma_start3A_197] : memref<4x128x128xf32, #tpu.memory_space<vmem>> -> memref<1x128x128xf32, #tpu.memory_space<vmem>>
      %dma_start3A_199 = tpu.memref_squeeze %dma_start3A_198 : memref<1x128x128xf32, #tpu.memory_space<vmem>> -> memref<128x128xf32, #tpu.memory_space<vmem>>
      tpu.enqueue_dma source(%dma_start3A_199 : memref<128x128xf32, #tpu.memory_space<vmem>>) target(%dma_start3A_195 : memref<128x128xf32, #tpu.memory_space<hbm>>) target_semaphore(%arg14 : memref<!tpu.dma_semaphore, #tpu.memory_space<semaphore_mem>>)
      %add3A_200 = arith.constant 3 : i32
      %add3A_201 = arith.addi %mul3A_74, %add3A_200 : i32
      %ge3A_202 = arith.constant 1 : i32
      %ge3A_203 = arith.cmpi sge, %add3A_201, %ge3A_202 : i32
      %convert_element_type3A_204 = arith.extui %ge3A_203 : i1 to i32
      %cond3A_205 = arith.constant 0 : i32
      %cond3A_206 = arith.cmpi ne, %convert_element_type3A_204, %cond3A_205 : i32
      scf.if %cond3A_206 {
        %dma_wait3A_242 = arith.constant 2 : i32
        %dma_wait3A_243 = arith.constant 0 : i32
        %dma_wait3A_244 = arith.constant 0 : i32
        %dma_wait3A_245 = tpu.memref_slice %arg6[%dma_wait3A_242, %dma_wait3A_243, %dma_wait3A_244] : memref<4x128x128xf32, #tpu.memory_space<vmem>> -> memref<1x128x128xf32, #tpu.memory_space<vmem>>
        %dma_wait3A_246 = tpu.memref_squeeze %dma_wait3A_245 : memref<1x128x128xf32, #tpu.memory_space<vmem>> -> memref<128x128xf32, #tpu.memory_space<vmem>>
        %dma_wait3A_247 = arith.constant 0 : i32
        %dma_wait3A_248 = tpu.memref_slice %arg4[%select_n3A, %dma_wait3A_247] : memref<100000x128xf32, #tpu.memory_space<hbm>> -> memref<128x128xf32, #tpu.memory_space<hbm>>
        %dma_wait3A_249 = arith.constant 0 : i32
        %dma_wait3A_250 = tpu.memref_slice %arg4[%select_n3A, %dma_wait3A_249] : memref<100000x128xf32, #tpu.memory_space<hbm>> -> memref<128x128xf32, #tpu.memory_space<hbm>>
        %dma_wait3A_251 = arith.constant 0 : i32
        %dma_wait3A_252 = arith.constant 0 : i32
        %dma_wait3A_253 = tpu.memref_slice %arg6[%dma_wait3A_242, %dma_wait3A_251, %dma_wait3A_252] : memref<4x128x128xf32, #tpu.memory_space<vmem>> -> memref<1x128x128xf32, #tpu.memory_space<vmem>>
        %dma_wait3A_254 = tpu.memref_squeeze %dma_wait3A_253 : memref<1x128x128xf32, #tpu.memory_space<vmem>> -> memref<128x128xf32, #tpu.memory_space<vmem>>
        tpu.wait_dma2 semaphore(%arg14 : memref<!tpu.dma_semaphore, #tpu.memory_space<semaphore_mem>>) src(%dma_wait3A_254 : memref<128x128xf32, #tpu.memory_space<vmem>>) dst(%dma_wait3A_250 : memref<128x128xf32, #tpu.memory_space<hbm>>)
      } else {
      }
      %add3A_207 = arith.constant 4 : i32
      %add3A_208 = arith.addi %add3A_201, %add3A_207 : i32
      %sub3A_209 = arith.constant 1 : i32
      %sub3A_210 = arith.subi %add3A_208, %sub3A_209 : i32
      %lt3A_211 = arith.constant 24 : i32
      %lt3A_212 = arith.cmpi slt, %sub3A_210, %lt3A_211 : i32
      %convert_element_type3A_213 = arith.extui %lt3A_212 : i1 to i32
      %cond3A_214 = arith.constant 0 : i32
      %cond3A_215 = arith.cmpi ne, %convert_element_type3A_213, %cond3A_214 : i32
      scf.if %cond3A_215 {
        %add3A_242 = arith.constant 4 : i32
        %add3A_243 = arith.addi %add3A_201, %add3A_242 : i32
        %sub3A_244 = arith.constant 1 : i32
        %sub3A_245 = arith.subi %add3A_243, %sub3A_244 : i32
        %mul3A_246 = arith.constant 128 : i32
        %mul3A_247 = arith.muli %sub3A_245, %mul3A_246 : i32
        %dma_start3A_248 = arith.constant 2 : i32
        %dma_start3A_249 = arith.constant 0 : i32
        %dma_start3A_250 = arith.constant 0 : i32
        %dma_start3A_251 = tpu.memref_slice %arg6[%dma_start3A_248, %dma_start3A_249, %dma_start3A_250] : memref<4x128x128xf32, #tpu.memory_space<vmem>> -> memref<1x128x128xf32, #tpu.memory_space<vmem>>
        %dma_start3A_252 = tpu.memref_squeeze %dma_start3A_251 : memref<1x128x128xf32, #tpu.memory_space<vmem>> -> memref<128x128xf32, #tpu.memory_space<vmem>>
        %dma_start3A_253 = tpu.memref_slice %arg5[%mul3A_247] : memref<3128xi32, #tpu.memory_space<vmem>> -> memref<128xi32, #tpu.memory_space<vmem>>
        %dma_start3A_254 = arith.constant 0 : i32
        %dma_start3A_255 = arith.constant 0 : i32
        %dma_start3A_256 = tpu.memref_slice %arg2[%dma_start3A_254, %dma_start3A_255] : memref<100000x128xf32, #tpu.memory_space<hbm>> -> memref<100000x128xf32, #tpu.memory_space<hbm>>
        tpu.enqueue_indirect_dma source(%dma_start3A_256 : memref<100000x128xf32, #tpu.memory_space<hbm>>) target(%dma_start3A_252 : memref<128x128xf32, #tpu.memory_space<vmem>>) offsets(%dma_start3A_253 : memref<128xi32, #tpu.memory_space<vmem>>) semaphore(%arg10 : memref<!tpu.dma_semaphore, #tpu.memory_space<semaphore_mem>>)
      } else {
      }
      %dma_wait3A_216 = arith.constant 3 : i32
      %dma_wait3A_217 = arith.constant 0 : i32
      %dma_wait3A_218 = arith.constant 0 : i32
      %dma_wait3A_219 = tpu.memref_slice %arg6[%dma_wait3A_216, %dma_wait3A_217, %dma_wait3A_218] : memref<4x128x128xf32, #tpu.memory_space<vmem>> -> memref<1x128x128xf32, #tpu.memory_space<vmem>>
      %dma_wait3A_220 = tpu.memref_squeeze %dma_wait3A_219 : memref<1x128x128xf32, #tpu.memory_space<vmem>> -> memref<128x128xf32, #tpu.memory_space<vmem>>
      %dma_wait3A_221 = arith.constant 0 : i32
      %dma_wait3A_222 = tpu.memref_slice %arg5[%dma_wait3A_221] : memref<3128xi32, #tpu.memory_space<vmem>> -> memref<128xi32, #tpu.memory_space<vmem>>
      %dma_wait3A_223 = arith.constant 0 : i32
      %dma_wait3A_224 = arith.constant 0 : i32
      %dma_wait3A_225 = tpu.memref_slice %arg2[%dma_wait3A_223, %dma_wait3A_224] : memref<100000x128xf32, #tpu.memory_space<hbm>> -> memref<100000x128xf32, #tpu.memory_space<hbm>>
      tpu.wait_indirect_dma semaphore(%arg11 : memref<!tpu.dma_semaphore, #tpu.memory_space<semaphore_mem>>) src(%dma_wait3A_225 : memref<100000x128xf32, #tpu.memory_space<hbm>>) dst(%dma_wait3A_220 : memref<128x128xf32, #tpu.memory_space<vmem>>)
      %mul3A_226 = arith.constant 128 : i32
      %mul3A_227 = arith.muli %add3A_201, %mul3A_226 : i32
      %add3A_228 = arith.addi %select_n3A, %mul3A_227 : i32
      %dma_start3A_229 = arith.constant 3 : i32
      %dma_start3A_230 = arith.constant 0 : i32
      %dma_start3A_231 = arith.constant 0 : i32
      %dma_start3A_232 = tpu.memref_slice %arg6[%dma_start3A_229, %dma_start3A_230, %dma_start3A_231] : memref<4x128x128xf32, #tpu.memory_space<vmem>> -> memref<1x128x128xf32, #tpu.memory_space<vmem>>
      %dma_start3A_233 = tpu.memref_squeeze %dma_start3A_232 : memref<1x128x128xf32, #tpu.memory_space<vmem>> -> memref<128x128xf32, #tpu.memory_space<vmem>>
      %dma_start3A_234 = arith.constant 0 : i32
      %dma_start3A_235 = tpu.memref_slice %arg4[%add3A_228, %dma_start3A_234] : memref<100000x128xf32, #tpu.memory_space<hbm>> -> memref<128x128xf32, #tpu.memory_space<hbm>>
      %dma_start3A_236 = arith.constant 0 : i32
      %dma_start3A_237 = tpu.memref_slice %arg4[%add3A_228, %dma_start3A_236] : memref<100000x128xf32, #tpu.memory_space<hbm>> -> memref<128x128xf32, #tpu.memory_space<hbm>>
      %dma_start3A_238 = arith.constant 0 : i32
      %dma_start3A_239 = arith.constant 0 : i32
      %dma_start3A_240 = tpu.memref_slice %arg6[%dma_start3A_229, %dma_start3A_238, %dma_start3A_239] : memref<4x128x128xf32, #tpu.memory_space<vmem>> -> memref<1x128x128xf32, #tpu.memory_space<vmem>>
      %dma_start3A_241 = tpu.memref_squeeze %dma_start3A_240 : memref<1x128x128xf32, #tpu.memory_space<vmem>> -> memref<128x128xf32, #tpu.memory_space<vmem>>
      tpu.enqueue_dma source(%dma_start3A_241 : memref<128x128xf32, #tpu.memory_space<vmem>>) target(%dma_start3A_237 : memref<128x128xf32, #tpu.memory_space<hbm>>) target_semaphore(%arg15 : memref<!tpu.dma_semaphore, #tpu.memory_space<semaphore_mem>>)
    }
    %scan3A_47 = arith.constant 6 : i32
    %dma_wait3A = arith.constant 3 : i32
    %dma_wait3A_48 = arith.constant 0 : i32
    %dma_wait3A_49 = arith.constant 0 : i32
    %dma_wait3A_50 = tpu.memref_slice %arg6[%dma_wait3A, %dma_wait3A_48, %dma_wait3A_49] : memref<4x128x128xf32, #tpu.memory_space<vmem>> -> memref<1x128x128xf32, #tpu.memory_space<vmem>>
    %dma_wait3A_51 = tpu.memref_squeeze %dma_wait3A_50 : memref<1x128x128xf32, #tpu.memory_space<vmem>> -> memref<128x128xf32, #tpu.memory_space<vmem>>
    %dma_wait3A_52 = arith.constant 0 : i32
    %dma_wait3A_53 = tpu.memref_slice %arg4[%select_n3A, %dma_wait3A_52] : memref<100000x128xf32, #tpu.memory_space<hbm>> -> memref<128x128xf32, #tpu.memory_space<hbm>>
    %dma_wait3A_54 = arith.constant 0 : i32
    %dma_wait3A_55 = tpu.memref_slice %arg4[%select_n3A, %dma_wait3A_54] : memref<100000x128xf32, #tpu.memory_space<hbm>> -> memref<128x128xf32, #tpu.memory_space<hbm>>
    %dma_wait3A_56 = arith.constant 0 : i32
    %dma_wait3A_57 = arith.constant 0 : i32
    %dma_wait3A_58 = tpu.memref_slice %arg6[%dma_wait3A, %dma_wait3A_56, %dma_wait3A_57] : memref<4x128x128xf32, #tpu.memory_space<vmem>> -> memref<1x128x128xf32, #tpu.memory_space<vmem>>
    %dma_wait3A_59 = tpu.memref_squeeze %dma_wait3A_58 : memref<1x128x128xf32, #tpu.memory_space<vmem>> -> memref<128x128xf32, #tpu.memory_space<vmem>>
    tpu.wait_dma2 semaphore(%arg15 : memref<!tpu.dma_semaphore, #tpu.memory_space<semaphore_mem>>) src(%dma_wait3A_59 : memref<128x128xf32, #tpu.memory_space<vmem>>) dst(%dma_wait3A_55 : memref<128x128xf32, #tpu.memory_space<hbm>>)
    %dma_wait3A_60 = arith.constant 0 : i32
    %dma_wait3A_61 = tpu.memref_slice %arg5[%dma_wait3A_60] : memref<3128xi32, #tpu.memory_space<vmem>> -> memref<56xi32, #tpu.memory_space<vmem>>
    %dma_wait3A_62 = arith.constant 0 : i32
    %dma_wait3A_63 = arith.constant 0 : i32
    %dma_wait3A_64 = tpu.memref_slice %arg2[%dma_wait3A_62, %dma_wait3A_63] : memref<100000x128xf32, #tpu.memory_space<hbm>> -> memref<100000x128xf32, #tpu.memory_space<hbm>>
    tpu.wait_indirect_dma semaphore(%arg16 : memref<!tpu.dma_semaphore, #tpu.memory_space<semaphore_mem>>) src(%dma_wait3A_64 : memref<100000x128xf32, #tpu.memory_space<hbm>>) dst(%arg7 : memref<56x128xf32, #tpu.memory_space<vmem>>)
    %add3A_65 = arith.constant 3072 : i32
    %add3A_66 = arith.addi %select_n3A, %add3A_65 : i32
    %convert_element_type3A = arith.extui %ge3A_1 : i1 to i32
    %cond3A = arith.constant 0 : i32
    %cond3A_67 = arith.cmpi ne, %convert_element_type3A, %cond3A : i32
    scf.if %cond3A_67 {
      %dma_start3A_72 = arith.constant 0 : i32
      %dma_start3A_73 = tpu.memref_slice %arg4[%add3A_66, %dma_start3A_72] : memref<100000x128xf32, #tpu.memory_space<hbm>> -> memref<56x128xf32, #tpu.memory_space<hbm>>
      %dma_start3A_74 = arith.constant 0 : i32
      %dma_start3A_75 = tpu.memref_slice %arg4[%add3A_66, %dma_start3A_74] : memref<100000x128xf32, #tpu.memory_space<hbm>> -> memref<56x128xf32, #tpu.memory_space<hbm>>
      tpu.enqueue_dma source(%arg7 : memref<56x128xf32, #tpu.memory_space<vmem>>) target(%dma_start3A_75 : memref<56x128xf32, #tpu.memory_space<hbm>>) target_semaphore(%arg17 : memref<!tpu.dma_semaphore, #tpu.memory_space<semaphore_mem>>)
      %dma_wait3A_76 = arith.constant 0 : i32
      %dma_wait3A_77 = arith.constant 0 : i32
      %dma_wait3A_78 = tpu.memref_slice %arg4[%dma_wait3A_76, %dma_wait3A_77] : memref<100000x128xf32, #tpu.memory_space<hbm>> -> memref<56x128xf32, #tpu.memory_space<hbm>>
      %dma_wait3A_79 = arith.constant 0 : i32
      %dma_wait3A_80 = arith.constant 0 : i32
      %dma_wait3A_81 = tpu.memref_slice %arg4[%dma_wait3A_79, %dma_wait3A_80] : memref<100000x128xf32, #tpu.memory_space<hbm>> -> memref<56x128xf32, #tpu.memory_space<hbm>>
      tpu.wait_dma2 semaphore(%arg17 : memref<!tpu.dma_semaphore, #tpu.memory_space<semaphore_mem>>) src(%arg7 : memref<56x128xf32, #tpu.memory_space<vmem>>) dst(%dma_wait3A_81 : memref<56x128xf32, #tpu.memory_space<hbm>>)
    } else {
    }
    %not3A = arith.constant true
    %not3A_68 = arith.xori %ge3A_1, %not3A : i1
    %convert_element_type3A_69 = arith.extui %not3A_68 : i1 to i32
    %cond3A_70 = arith.constant 0 : i32
    %cond3A_71 = arith.cmpi ne, %convert_element_type3A_69, %cond3A_70 : i32
    scf.if %cond3A_71 {
      %dma_start3A_72 = arith.constant 0 : i32
      %dma_start3A_73 = arith.constant 0 : i32
      %dma_start3A_74 = tpu.memref_slice %arg7[%dma_start3A_72, %dma_start3A_73] : memref<56x128xf32, #tpu.memory_space<vmem>> -> memref<48x128xf32, #tpu.memory_space<vmem>>
      %dma_start3A_75 = arith.constant 0 : i32
      %dma_start3A_76 = tpu.memref_slice %arg4[%add3A_66, %dma_start3A_75] : memref<100000x128xf32, #tpu.memory_space<hbm>> -> memref<48x128xf32, #tpu.memory_space<hbm>>
      %dma_start3A_77 = arith.constant 0 : i32
      %dma_start3A_78 = tpu.memref_slice %arg4[%add3A_66, %dma_start3A_77] : memref<100000x128xf32, #tpu.memory_space<hbm>> -> memref<48x128xf32, #tpu.memory_space<hbm>>
      %dma_start3A_79 = arith.constant 0 : i32
      %dma_start3A_80 = arith.constant 0 : i32
      %dma_start3A_81 = tpu.memref_slice %arg7[%dma_start3A_79, %dma_start3A_80] : memref<56x128xf32, #tpu.memory_space<vmem>> -> memref<48x128xf32, #tpu.memory_space<vmem>>
      tpu.enqueue_dma source(%dma_start3A_81 : memref<48x128xf32, #tpu.memory_space<vmem>>) target(%dma_start3A_78 : memref<48x128xf32, #tpu.memory_space<hbm>>) target_semaphore(%arg17 : memref<!tpu.dma_semaphore, #tpu.memory_space<semaphore_mem>>)
      %dma_wait3A_82 = arith.constant 0 : i32
      %dma_wait3A_83 = arith.constant 0 : i32
      %dma_wait3A_84 = tpu.memref_slice %arg7[%dma_wait3A_82, %dma_wait3A_83] : memref<56x128xf32, #tpu.memory_space<vmem>> -> memref<48x128xf32, #tpu.memory_space<vmem>>
      %dma_wait3A_85 = arith.constant 0 : i32
      %dma_wait3A_86 = arith.constant 0 : i32
      %dma_wait3A_87 = tpu.memref_slice %arg4[%dma_wait3A_85, %dma_wait3A_86] : memref<100000x128xf32, #tpu.memory_space<hbm>> -> memref<48x128xf32, #tpu.memory_space<hbm>>
      %dma_wait3A_88 = arith.constant 0 : i32
      %dma_wait3A_89 = arith.constant 0 : i32
      %dma_wait3A_90 = tpu.memref_slice %arg4[%dma_wait3A_88, %dma_wait3A_89] : memref<100000x128xf32, #tpu.memory_space<hbm>> -> memref<48x128xf32, #tpu.memory_space<hbm>>
      %dma_wait3A_91 = arith.constant 0 : i32
      %dma_wait3A_92 = arith.constant 0 : i32
      %dma_wait3A_93 = tpu.memref_slice %arg7[%dma_wait3A_91, %dma_wait3A_92] : memref<56x128xf32, #tpu.memory_space<vmem>> -> memref<48x128xf32, #tpu.memory_space<vmem>>
      tpu.wait_dma2 semaphore(%arg17 : memref<!tpu.dma_semaphore, #tpu.memory_space<semaphore_mem>>) src(%dma_wait3A_93 : memref<48x128xf32, #tpu.memory_space<vmem>>) dst(%dma_wait3A_90 : memref<48x128xf32, #tpu.memory_space<hbm>>)
    } else {
    }
    return
  }
}

</mosaic_0001>

<sc_bundles>
// kernel: kernel.3.cloned.1.call-start
scs
__scs_entry_jumppad:
0x0: {  	(pc) =	sbr.rel $0x88, $3  }
0x1: {  	(tag) =	ssettag $0x0;
	lr =	simm.s32 $0x1  }
0x2: {  	[smem:$0x3F9F] =	sst lr;
	_ =	strace $0xD0000000  }
0x3: {  	_ = 	snop  }
0x4: {  	_ = 	snop  }
0x5: {  	_ = 	snop  }
0x6: {  	_ = 	snop  }
0x7: {  	_ = 	snop  }
__scs_overlays_trampoline_lowered:
0x8: {  	[smem:$0x3FAE] =	sst s0  }
0x9: {  	[smem:$0x3FAF] =	sst s1  }
0xa: {  	[smem:$0x3FB0] =	sst s2  }
0xb: {  	[smem:$0x3FB1] =	sst s3  }
0xc: {  	[smem:$0x3FB2] =	sst s4  }
0xd: {  	[smem:$0x3FB3] =	sst s5  }
0xe: {  	[smem:$0x3FB4] =	sst s6  }
0xf: {  	[smem:$0x3FB5] =	sst s7  }
0x10: {  	[smem:$0x3FB6] =	sst s8  }
0x11: {  	[smem:$0x3FB7] =	sst s9;
	s0 =	simm.s32 @!p0 $0x0  }
0x12: {  	s1 =	sld [smem:$0x3F9D];
	s0 =	simm.s32 @p0 $0x1  }
0x13: {  	[smem:$0x3FB8] =	sst s0;
	s0 =	simm.s32 @!p1 $0x0  }
0x14: {  	s2 =	sld [smem:$0x3F9C];
	s0 =	simm.s32 @p1 $0x1  }
0x15: {  	[smem:$0x3FB9] =	sst s0;
	s0 =	simm.s32 @!p2 $0x0  }
0x16: {  	s3 =	sld [smem:$0x3FDB];
	s0 =	simm.s32 @p2 $0x1  }
0x17: {  	s4 =	simm.s32 $0x1BF5;
	[smem:$0x3FBB] =	sst s0  }
0x18: {  	s0 =	sld [smem:$0x3F9E];
	_ =	swait.ge [sflag:s4], $0x0  }
0x19: {  	s7 =	sld [smem:$0x3F9F]  }
0x1a: {  	s8 =	sadd.s32 $0xFFFFE003, lr  }
0x1b: {  	s9 =	sadd.s32 $0xFFFFFEF7, lr;
	s5 =	simm.s32 $0xFFFFFFFF;
	p2 =	slt.u32 s8, $0xFFFFF086  }
0x1c: {  	p1 =	slt.u32 s9, $0xF7A;
	s5 =	simm.s32 @!p2 $0x0  }
0x1d: {  	s5 =	simm.s32 @p1 $0x1;
	p0 =	seq.s32 s7, s2  }
0x1e: {  	s7 =	smul.u32 @!p0 $0xF7A, s2;
	p2 =	seq.s32 @!p0 s5, $0x0  }
0x1f: {  	s9 =	smul.u32 $0xF7A, s1;
	s8 =	simm.s32 @!p0 $0x1BF5;
	p2 =	por !p2, p0  }
0x20: {  	[sflag:s8] =	ssyncset.s32 @!p0 $0xFFFFF086;
	s6 =	sadd.s32 @!p0 s3, s7;
	s7 =	simm.s32 @!p0 $0x108  }
0x21: {  	s3 =	sadd.s32 s3, s9;
	s6 =	sadd.s32 @!p0 $0x88, s6;
	s7 =	simm.s32 @p2 $0x1082  }
0x22: {  	[simem:s7], [sflag:s8] =	dma.local @!p0 [hbm:s6], $0xF7A  }
0x23: {  	s9 =	sor.u32 $0xD0000000, s2;
	s6 =	simm.s32 $0x108;
	_ =	swait.ge @!p0 [sflag:s8], $0x0  }
0x24: {  	s3 =	sadd.s32 $0x88, s3;
	s6 =	simm.s32 @!p1 $0x1082;
	[sflag:s4] =	ssyncset.s32 $0xFFFFF086  }
0x25: {  	[simem:s6], [sflag:s4] =	dma.local [hbm:s3], $0xF7A  }
0x26: {  	[smem:$0x3F9F] =	sst s1;
	(tag) =	ssettag s2;
	_ =	strace s9  }
0x27: {  	s1 =	sld [smem:$0x3FAF]  }
0x28: {  	s2 =	sld [smem:$0x3FB0]  }
0x29: {  	s4 =	sld [smem:$0x3FB2]  }
0x2a: {  	p0 =	seq.s32 s5, $0x0;
	s5 =	sld [smem:$0x3FB3]  }
0x2b: {  	s6 =	sld [smem:$0x3FB4]  }
0x2c: {  	s7 =	sld [smem:$0x3FB5]  }
0x2d: {  	s3 =	simm.s32 $0x108;
	s8 =	sld [smem:$0x3FB6]  }
0x2e: {  	s3 =	simm.s32 @!p0 $0x1082;
	s9 =	sld [smem:$0x3FB7]  }
0x2f: {  	lr =	sadd.s32 s0, s3;
	s0 =	sld [smem:$0x3FAE]  }
0x30: {  	s3 =	sld [smem:$0x3FB1]  }
0x31: {  	[smem:$0x3FBA] =	sst s10  }
0x32: {  	s10 =	sld [smem:$0x3FB8];
	_ =	sdelay $0x3  }
0x33: {  	p0 =	seq.s32 s10, $0x1;
	s10 =	sld [smem:$0x3FBA];
	_ =	sdelay $0x3  }
0x34: {  	[smem:$0x3FBA] =	sst s10  }
0x35: {  	s10 =	sld [smem:$0x3FB9];
	_ =	sdelay $0x3  }
0x36: {  	p1 =	seq.s32 s10, $0x1;
	s10 =	sld [smem:$0x3FBA];
	_ =	sdelay $0x3  }
0x37: {  	[smem:$0x3FBA] =	sst s10  }
0x38: {  	s10 =	sld [smem:$0x3FBB]  }
0x39: {  	_ = 	snop;
	(pc) =	sbr.ind lr, $3  }
0x3a: {  	_ = 	snop  }
0x3b: {  	_ = 	snop  }
0x3c: {  	p2 =	seq.s32 s10, $0x1;
	s10 =	sld [smem:$0x3FBA]  }
0x3d: {  	_ =	shalt  }
0x3e: {  	_ =	shalt  }
0x3f: {  	_ =	shalt  }
0x40: {  	_ =	shalt  }
0x41: {  	_ =	shalt  }
0x42: {  	_ =	shalt  }
0x43: {  	_ =	shalt  }
0x44: {  	_ =	shalt  }
0x45: {  	_ =	shalt  }
0x46: {  	_ =	shalt  }
0x47: {  	_ =	shalt  }
0x48: {  	_ =	shalt  }
0x49: {  	_ =	shalt  }
0x4a: {  	_ =	shalt  }
0x4b: {  	_ =	shalt  }
0x4c: {  	_ =	shalt  }
0x4d: {  	_ =	shalt  }
0x4e: {  	_ =	shalt  }
0x4f: {  	_ =	shalt  }
0x50: {  	_ =	shalt  }
0x51: {  	_ =	shalt  }
0x52: {  	_ =	shalt  }
0x53: {  	_ =	shalt  }
0x54: {  	_ =	shalt  }
0x55: {  	_ =	shalt  }
0x56: {  	_ =	shalt  }
0x57: {  	_ =	shalt  }
0x58: {  	_ =	shalt  }
0x59: {  	_ =	shalt  }
0x5a: {  	_ =	shalt  }
0x5b: {  	_ =	shalt  }
0x5c: {  	_ =	shalt  }
0x5d: {  	_ =	shalt  }
0x5e: {  	_ =	shalt  }
0x5f: {  	_ =	shalt  }
0x60: {  	_ =	shalt  }
0x61: {  	_ =	shalt  }
0x62: {  	_ =	shalt  }
0x63: {  	_ =	shalt  }
0x64: {  	_ =	shalt  }
0x65: {  	_ =	shalt  }
0x66: {  	_ =	shalt  }
0x67: {  	_ =	shalt  }
0x68: {  	_ =	shalt  }
0x69: {  	_ =	shalt  }
0x6a: {  	_ =	shalt  }
0x6b: {  	_ =	shalt  }
0x6c: {  	_ =	shalt  }
0x6d: {  	_ =	shalt  }
0x6e: {  	_ =	shalt  }
0x6f: {  	_ =	shalt  }
0x70: {  	_ =	shalt  }
0x71: {  	_ =	shalt  }
0x72: {  	_ =	shalt  }
0x73: {  	_ =	shalt  }
0x74: {  	_ =	shalt  }
0x75: {  	_ =	shalt  }
0x76: {  	_ =	shalt  }
0x77: {  	_ =	shalt  }
0x78: {  	_ =	shalt  }
0x79: {  	_ =	shalt  }
0x7a: {  	_ =	shalt  }
0x7b: {  	_ =	shalt  }
0x7c: {  	_ =	shalt  }
0x7d: {  	_ =	shalt  }
0x7e: {  	_ =	shalt  }
0x7f: {  	_ =	shalt  }
0x80: {  	_ =	shalt  }
0x81: {  	_ =	shalt  }
0x82: {  	_ =	shalt  }
0x83: {  	_ =	shalt  }
0x84: {  	_ =	shalt  }
0x85: {  	_ =	shalt  }
0x86: {  	_ =	shalt  }
0x87: {  	_ =	shalt  }
.Lfunc_end0:
.L_simem_size_0:
called_computation_lowered:
.L_overlay_start_0:
0x88: {  	s2 =	sld [smem:$0x3FD9]  }
0x89: {  	s3 =	sld [smem:$0x3FFE];
	_ =	sdelay $0x1  }
0x8a: {  	s1 =	srdreg.scid  }
0x8b: {  	s0 =	sand.u32 $0x1, s1  }
0x8c: {  	s18 =	sshll.u32 s0, $0xA;
	s2 =	sadd.s32 s3, s2  }
0x8d: {  	s2 =	sadd.s32 s2, s18  }
0x8e: {  	[smem:$0x3FC6] =	sst s2  }
0x8f: {  	_ = 	snop  }
0x90: {  	s2 =	sld [smem:$0x3FC9]  }
0x91: {  	s19 =	sld [smem:$0x3FC8]  }
0x92: {  	s4 =	sld [smem:$0x3FD0];
	(tm) =	ssettm $0x1  }
0x93: {  	s5 =	sld [smem:$0x3FFB];
	_ =	sdelay $0x3  }
0x94: {  	_ =	strace s5  }
0x95: {  	s5 =	sld [smem:$0x3FFC];
	_ =	sdelay $0x3  }
0x96: {  	_ =	strace s5  }
0x97: {  	s5 =	sld [smem:$0x3FFD];
	_ =	sdelay $0x3  }
0x98: {  	_ =	strace s5  }
0x99: {  	_ =	strace $0x8FFFFFFF  }
0x9a: {  	s20 =	sld [smem:$0x3FDB];
	_ =	sdelay $0x1  }
0x9b: {  	s6 =	simm.s32 $_scs_section_size  }
0x9c: {  	s7 =	simm.s32 $_size__tile_overlayer_lowered;
	s8 =	simm.s32 $_tile_overlayer_lowered  }
0x9d: {  	s23 =	simm.s32 $0x1BFF;
	s22 =	sshll.u32 s8, $0x1;
	s5 =	sadd.s32 s6, s20  }
0x9e: {  	s9 =	simm.s32 $0x0;
	s21 =	sshll.u32 s7, $0x1;
	s7 =	sadd.s32 s22, s5  }
0x9f: {  	[timem:s9], [sflag:s23] =	dma.local [hbm:s7], s21  }
0xa0: {  	_ =	swait.ge [sflag:s23], s21  }
0xa1: {  	s6 =	ssub.s32 $0x0, s21;
	[sflag:s23] =	ssyncset.done $0x0  }
0xa2: {  	[sflag:s23] =	ssyncadd.s32 s6;
	_ =	sdelay $0x1  }
0xa3: {  	s24 =	simm.s32 $0x1B8B  }
0xa4: {  	_ =	swait.ge [sflag:s24], $0x1  }
0xa5: {  	[sflag:s24] =	ssyncset.done $0x0  }
0xa6: {  	s25 =	simm.s32 $0x1B8E;
	[sflag:s24] =	ssyncadd.s32 $0xFFFFFFFF  }
0xa7: {  	s26 =	simm.s32 $execute0_lowered;
	[smem:$0x3FD2] =	sst s25  }
0xa8: {  	s6 =	sshll.u32 s26, $0x1;
	_ =	strace $0x80000046;
	[dreg:$0x1] =	wrdreg $0xFFFFFFFF  }
0xa9: {  	s28 =	simm.s32 $_size_execute0_lowered;
	s5 =	sadd.s32 s5, s6;
	[dreg:$0x0] =	wrdreg $0x0  }
0xaa: {  	s6 =	sshll.u32 s28, $0x1;
	[dreg:$0x2] =	wrdreg s5  }
0xab: {  	[dreg:$0x3] =	wrdreg s6  }
0xac: {  	[dreg:$0x4] =	wrdreg $0xC0  }
0xad: {  	_ =	task [dreg:s9], $0x5FFFF  }
0xae: {  	[dreg:$0x1] =	wrdreg $0xFFFFFFFF  }
0xaf: {  	[dreg:$0x0] =	wrdreg $0x60  }
0xb0: {  	[dreg:$0x2] =	wrdreg s2  }
0xb1: {  	[dreg:$0x3] =	wrdreg s19  }
0xb2: {  	[dreg:$0x4] =	wrdreg s4  }
0xb3: {  	[dreg:$0x5] =	wrdreg $0x9  }
0xb4: {  	_ =	task.clear_ibuf [dreg:s9], $0x6FFFF;
	_ =	strace $0x90000046  }
0xb5: {  	s29 =	simm.s32 $0x9;
	_ =	strace $0x80000048  }
0xb6: {  	_ =	swait.ge [sflag:s29], $0x1  }
0xb7: {  	[sflag:s29] =	ssyncadd.s32 $0xFFFFFFFF  }
0xb8: {  	_ =	strace $0x90000048  }
0xb9: {  	_ =	sfence  }
0xba: {  	s30 =	sld [smem:$0x0];
	_ =	sdelay $0x2  }
0xbb: {  	s31 =	sshll.u32 s1, $0xD;
	s1 =	sshrl.u32 s1, $0x2  }
0xbc: {  	s3 =	sand.u32 $0x4000, s31;
	s1 =	sadd.s32 s1, s30  }
0xbd: {  	s0 =	sor.u32 s3, s0;
	s1 =	sshll.u32 s1, $0x11  }
0xbe: {  	s0 =	sor.u32 s1, s0  }
0xbf: {  	s0 =	sadd.s32 $0x8F2B, s0  }
0xc0: {  	[sflag:s0] =	ssyncadd.remote.s32 $0x1  }
0xc1: {  	_ =	sfence.sel $0xFFFF  }
0xc2: {  	[dreg:$0x0] =	wrdreg $0xFFFFFFFF;
	(pc) =	sbr.abs _section_cstart, $3  }
0xc3: {  	[dreg:$0x1] =	wrdreg $0xFFFFFFFF  }
0xc4: {  	_ =	task.clear_ibuf [dreg:s9], $0x2FFFF;
	_ =	strace $0x9FFFFFFF  }
0xc5: {  	(tm) =	ssettm $0x7FFFFFFF  }
tec
execute0_lowered:
.L_overlay_start_1:
0x0: {  	(tag) =	ssettag $0x1  }
0x1: {  	s1 =	rddreg [dreg:$0x0]  }
0x2: {  	s0 =	srdreg.scid;
	s2 =	rddreg [dreg:$0x1]  }
0x3: {  	s11 =	stileid.u32;
	s3 =	rddreg [dreg:$0x2];
	s10 =	simm.s32 $0xB  }
0x4: {  	s14 =	simm.s32 $0x80;
	s15 =	simm.s32 $0xC80;
	s16 =	simm.s32 $0x4C80  }
0x5: {  	s18 =	simm.s32 $0x8C80;
	s19 =	simm.s32 $0xCC80;
	s20 =	simm.s32 $0x1  }
0x6: {  	s21 =	simm.s32 $0x5;
	s22 =	simm.s32 $0x2;
	s23 =	simm.s32 $0x6  }
0x7: {  	s24 =	simm.s32 $0x3;
	s25 =	simm.s32 $0x7;
	s28 =	simm.s32 $0x8  }
0x8: {  	s29 =	simm.s32 $0x9;
	s0 =	sand.u32 $0x1, s0;
	s4 =	sshll.u32 s11, $0x1  }
0x9: {  	s30 =	simm.s32 $0x0;
	p0 =	sgt.u32 s11, $0x5;
	s5 =	sor.u32 s0, s4  }
0xa: {  	s4 =	simm.s32 $0x0;
	s0 =	ssub.s32 $0x2, s0;
	s6 =	smul.u32 $0xC38, s5  }
0xb: {  	[smem:$0x7FF] =	sst s4;
	s7 =	smul.u32 $0xC30, s5;
	s26 =	sshrl.u32 s0, $0x1  }
0xc: {  	_ =	strace $0x80000047;
	s0 =	ssub.s32 s0, s26;
	s5 =	sadd.s32 $0xFFFFFFA0, s6  }
0xd: {  	s26 =	simm.s32 $0x4;
	s7 =	smov.u32 @p0 s5;
	p0 =	slt.u32 s11, $0x6  }
0xe: {  	s5 =	sshrl.u32 s7, $0x3;
	s8 =	sshll.u32 s7, $0x4;
	s6 =	sshll.u32 s7, $0x7  }
0xf: {  	s2 =	sadd.s32 s2, s5;
	s31 =	sadd.s32 s8, s3;
	s8 =	smax.u32 s0, $0x1  }
0x10: {  	[dreg:$0x4] =	wrdreg s2;
	s7 =	sadd.s32 $0xC000, s31;
	s9 =	sadd.s32 $0x1000, s31  }
.LBB2_1:
0x11: {  	s0 =	rddreg [dreg:$0x4]  }
0x12: {  	[tilespmem:s4], [sflag:$0xB] =	stream.linear.gather [hbm4b:s0+s4], $0xC38, $0x38;
	[tilespmem:$0x12880] =	vst v63  }
0x13: {  	_ =	swait.ge [sflag:s10], $0xC38  }
0x14: {  	s17 =	simm.s32 $0x38;
	[sflag:s10] =	ssyncset.done $0x0  }
0x15: {  	s2 =	simm.s32 $0xC00;
	s5 =	simm.s32 $0x10C80;
	[sflag:s10] =	ssyncadd.s32 $0xFFFFF3C8  }
0x16: {  	[tilespmem:s5], [sflag:$0x9] =	stream.indirect.gather [hbm4b:s1+s17], $0x80, s2, s17, $0xb8;
	[tilespmem:$0x12880] =	vst v63  }
0x17: {  	_ = 	snop  }
0x18: {  	[tilespmem:s15], [sflag:$0x1] =	stream.indirect.gather [hbm4b:s1+s14], $0x80, s4, s14, $0xb8;
	[tilespmem:$0x12880] =	vst v63  }
0x19: {  	p1 =	por $0x1, $0x1  }
0x1a: {  	[tilespmem:s16], [sflag:$0x2] =	stream.indirect.gather [hbm4b:s1+s14], $0x80, s14, s14, $0xb8;
	[tilespmem:$0x12880] =	vst v63  }
0x1b: {  	s0 =	simm.s32 @!p1 $0x8;
	s5 =	simm.s32 $0x100  }
0x1c: {  	[tilespmem:s18], [sflag:$0x3] =	stream.indirect.gather [hbm4b:s1+s14], $0x80, s5, s14, $0xb8;
	[tilespmem:$0x12880] =	vst v63  }
0x1d: {  	_ =	swait.ge @!p1 [sflag:s0], $0x4000  }
0x1e: {  	[sflag:s0] =	ssyncset.done @!p1 $0x0  }
0x1f: {  	s11 =	simm.s32 $0x180;
	[sflag:s0] =	ssyncadd.s32 @!p1 $0xFFFFC000  }
0x20: {  	[tilespmem:s19], [sflag:$0x4] =	stream.indirect.gather [hbm4b:s1+s14], $0x80, s11, s14, $0xb8;
	[tilespmem:$0x12880] =	vst v63  }
0x21: {  	_ =	swait.ge [sflag:s20], $0x4000  }
0x22: {  	s12 =	sshrl.u32 s6, $0x3;
	[sflag:s20] =	ssyncset.done $0x0  }
0x23: {  	s0 =	sadd.s32 s3, s12;
	[sflag:s20] =	ssyncadd.s32 $0xFFFFC000  }
0x24: {  	[hbm4b:s0+s4] =	stream.linear.scatter [tilespmem:s15], [sflag:$0x5], $0x4000, $0x38;
	[tilespmem:$0x12880] =	vst v63  }
0x25: {  	p1 =	por $0x0, $0x0;
	_ =	swait.ge [sflag:s21], $0x4000  }
0x26: {  	s2 =	simm.s32 @!p1 $0x200;
	[sflag:s21] =	ssyncset.done $0x0  }
0x27: {  	s11 =	simm.s32 @!p1 $0x80;
	s0 =	simm.s32 @!p1 $0xC80;
	[sflag:s21] =	ssyncadd.s32 $0xFFFFC000  }
0x28: {  	[tilespmem:s0], [sflag:$0x1] =	stream.indirect.gather @!p1 [hbm4b:s1+s11], $0x80, s2, s11, $0xb8;
	[tilespmem:$0x12880] =	vst v63  }
0x29: {  	_ =	swait.ge [sflag:s22], $0x4000  }
0x2a: {  	[sflag:s22] =	ssyncset.done $0x0  }
0x2b: {  	s13 =	sadd.s32 $0xFFFFF800, s9;
	[sflag:s22] =	ssyncadd.s32 $0xFFFFC000  }
0x2c: {  	[hbm4b:s13+s4] =	stream.linear.scatter [tilespmem:s16], [sflag:$0x6], $0x4000, $0x38;
	[tilespmem:$0x12880] =	vst v63  }
0x2d: {  	_ =	swait.ge [sflag:s23], $0x4000  }
0x2e: {  	[sflag:s23] =	ssyncset.done $0x0  }
0x2f: {  	s0 =	simm.s32 @!p1 $0x280;
	s2 =	simm.s32 @!p1 $0x4C80;
	[sflag:s23] =	ssyncadd.s32 $0xFFFFC000  }
0x30: {  	[tilespmem:s2], [sflag:$0x2] =	stream.indirect.gather @!p1 [hbm4b:s1+s11], $0x80, s0, s11, $0xb8;
	[tilespmem:$0x12880] =	vst v63  }
0x31: {  	_ =	swait.ge [sflag:s24], $0x4000  }
0x32: {  	[sflag:s24] =	ssyncset.done $0x0  }
0x33: {  	[sflag:s24] =	ssyncadd.s32 $0xFFFFC000  }
0x34: {  	[hbm4b:s9+s4] =	stream.linear.scatter [tilespmem:s18], [sflag:$0x7], $0x4000, $0x38;
	[tilespmem:$0x12880] =	vst v63  }
0x35: {  	s31 =	sadd.s32 $0x10000, s6;
	p2 =	por $0x0, $0x0;
	_ =	swait.ge [sflag:s25], $0x4000  }
0x36: {  	s17 =	sadd.s32 $0xC000, s6;
	s12 =	simm.s32 @!p1 $0x8C80;
	[sflag:s25] =	ssyncset.done $0x0  }
0x37: {  	s0 =	simm.s32 $0x800;
	s2 =	simm.s32 @!p1 $0x300;
	[sflag:s25] =	ssyncadd.s32 $0xFFFFC000  }
0x38: {  	[tilespmem:s12], [sflag:$0x3] =	stream.indirect.gather @!p1 [hbm4b:s1+s11], $0x80, s2, s11, $0xb8;
	[tilespmem:$0x12880] =	vst v63  }
0x39: {  	s11 =	simm.s32 $0x1000;
	s12 =	sshrl.u32 s17, $0x3;
	_ =	swait.ge [sflag:s26], $0x4000  }
0x3a: {  	s2 =	sadd.s32 $0x2000, s9;
	s12 =	sadd.s32 s3, s12;
	[sflag:s26] =	ssyncset.done $0x0  }
.LBB2_2:
0x3b: {  	s13 =	simm.s32 @!p2 $0x8  }
0x3c: {  	[sflag:s26] =	ssyncadd.s32 $0xFFFFC000;
	s17 =	smov.u32 s11;
	s11 =	sadd.s32 $0x800, s11  }
0x3d: {  	[hbm4b:s12+s4] =	stream.linear.scatter [tilespmem:s19], [sflag:$0x8], $0x4000, $0x38;
	[tilespmem:$0x12880] =	vst v63  }
0x3e: {  	p1 =	sne.s32 s11, $0x3000;
	_ =	swait.ge @!p2 [sflag:s13], $0x4000  }
0x3f: {  	s12 =	sshra.s32 s0, $0x2;
	[sflag:s13] =	ssyncset.done @!p2 $0x0  }
0x40: {  	s12 =	sadd.s32 $0x180, s12;
	[sflag:s13] =	ssyncadd.s32 @!p2 $0xFFFFC000  }
0x41: {  	[tilespmem:s19], [sflag:$0x4] =	stream.indirect.gather [hbm4b:s1+s14], $0x80, s12, s14, $0xb8;
	[tilespmem:$0x12880] =	vst v63  }
0x42: {  	_ =	swait.ge [sflag:s20], $0x4000  }
0x43: {  	s12 =	sshrl.u32 s31, $0x3;
	[sflag:s20] =	ssyncset.done $0x0  }
0x44: {  	s12 =	sadd.s32 s3, s12;
	[sflag:s20] =	ssyncadd.s32 $0xFFFFC000  }
0x45: {  	[hbm4b:s12+s4] =	stream.linear.scatter [tilespmem:s15], [sflag:$0x5], $0x4000, $0x38;
	[tilespmem:$0x12880] =	vst v63  }
0x46: {  	p2 =	seq.s32 s0, $0x2800;
	_ =	swait.ge [sflag:s21], $0x4000  }
0x47: {  	s0 =	sshra.s32 @!p2 s0, $0x2;
	s12 =	simm.s32 @!p2 $0xC80;
	[sflag:s21] =	ssyncset.done $0x0  }
0x48: {  	s5 =	simm.s32 @!p2 $0x80;
	s13 =	sadd.s32 @!p2 $0x200, s0;
	[sflag:s21] =	ssyncadd.s32 $0xFFFFC000  }
0x49: {  	[tilespmem:s12], [sflag:$0x1] =	stream.indirect.gather @!p2 [hbm4b:s1+s5], $0x80, s13, s5, $0xb8;
	[tilespmem:$0x12880] =	vst v63  }
0x4a: {  	s12 =	sadd.s32 @!p2 $0x280, s0;
	s13 =	sadd.s32 @!p2 $0x300, s0;
	_ =	swait.ge [sflag:s22], $0x4000  }
0x4b: {  	s0 =	smov.u32 s17;
	[sflag:s22] =	ssyncset.done $0x0  }
0x4c: {  	s17 =	sadd.s32 $0xFFFFF800, s2;
	[sflag:s22] =	ssyncadd.s32 $0xFFFFC000  }
0x4d: {  	[hbm4b:s17+s4] =	stream.linear.scatter [tilespmem:s16], [sflag:$0x6], $0x4000, $0x38;
	[tilespmem:$0x12880] =	vst v63  }
0x4e: {  	_ =	swait.ge [sflag:s23], $0x4000  }
0x4f: {  	[sflag:s23] =	ssyncset.done $0x0  }
0x50: {  	s17 =	simm.s32 @!p2 $0x4C80;
	[sflag:s23] =	ssyncadd.s32 $0xFFFFC000  }
0x51: {  	[tilespmem:s17], [sflag:$0x2] =	stream.indirect.gather @!p2 [hbm4b:s1+s5], $0x80, s12, s5, $0xb8;
	[tilespmem:$0x12880] =	vst v63  }
0x52: {  	_ =	swait.ge [sflag:s24], $0x4000  }
0x53: {  	[sflag:s24] =	ssyncset.done $0x0  }
0x54: {  	[sflag:s24] =	ssyncadd.s32 $0xFFFFC000  }
0x55: {  	[hbm4b:s2+s4] =	stream.linear.scatter [tilespmem:s18], [sflag:$0x7], $0x4000, $0x38;
	[tilespmem:$0x12880] =	vst v63  }
0x56: {  	_ =	swait.ge [sflag:s25], $0x4000  }
.Ltmp0:
0x57: {  	s2 =	sadd.s32 $0x2000, s2;
	[sflag:s25] =	ssyncset.done $0x0;
	(pc) =	sbr.rel @p1 .LBB2_2-.Ltmp0, $4  }
0x58: {  	s12 =	simm.s32 @!p2 $0x8C80;
	s17 =	sadd.s32 $0xC000, s31;
	[sflag:s25] =	ssyncadd.s32 $0xFFFFC000  }
0x59: {  	[tilespmem:s12], [sflag:$0x3] =	stream.indirect.gather @!p2 [hbm4b:s1+s5], $0x80, s13, s5, $0xb8;
	[tilespmem:$0x12880] =	vst v63  }
0x5a: {  	s31 =	sadd.s32 $0x10000, s31;
	s5 =	sshrl.u32 s17, $0x3;
	_ =	swait.ge [sflag:s26], $0x4000  }
0x5b: {  	p2 =	seq.s32 s0, $0x0;
	s12 =	sadd.s32 s3, s5;
	[sflag:s26] =	ssyncset.done $0x0  }
0x5c: {  	s5 =	simm.s32 @!p2 $0x8;
	[sflag:s26] =	ssyncadd.s32 $0xFFFFC000  }
0x5d: {  	[hbm4b:s12+s4] =	stream.linear.scatter [tilespmem:s19], [sflag:$0x8], $0x4000, $0x38;
	[tilespmem:$0x12880] =	vst v63  }
0x5e: {  	_ =	swait.ge @!p2 [sflag:s5], $0x4000  }
0x5f: {  	s11 =	sshra.s32 s0, $0x2;
	[sflag:s5] =	ssyncset.done @!p2 $0x0  }
0x60: {  	s12 =	sadd.s32 $0x180, s11;
	[sflag:s5] =	ssyncadd.s32 @!p2 $0xFFFFC000  }
0x61: {  	[tilespmem:s19], [sflag:$0x4] =	stream.indirect.gather [hbm4b:s1+s14], $0x80, s12, s14, $0xb8;
	[tilespmem:$0x12880] =	vst v63  }
0x62: {  	_ =	swait.ge [sflag:s20], $0x4000  }
0x63: {  	s13 =	sshrl.u32 s31, $0x3;
	[sflag:s20] =	ssyncset.done $0x0  }
0x64: {  	p1 =	seq.s32 s0, $0x2800;
	s5 =	sadd.s32 s3, s13;
	[sflag:s20] =	ssyncadd.s32 $0xFFFFC000  }
0x65: {  	[hbm4b:s5+s4] =	stream.linear.scatter [tilespmem:s15], [sflag:$0x5], $0x4000, $0x38;
	[tilespmem:$0x12880] =	vst v63  }
0x66: {  	s0 =	sshra.s32 @!p1 s0, $0x2;
	_ =	swait.ge [sflag:s21], $0x4000  }
0x67: {  	s11 =	sadd.s32 @!p1 $0x200, s0;
	[sflag:s21] =	ssyncset.done $0x0  }
0x68: {  	s12 =	simm.s32 @!p1 $0x80;
	s5 =	simm.s32 @!p1 $0xC80;
	[sflag:s21] =	ssyncadd.s32 $0xFFFFC000  }
0x69: {  	[tilespmem:s5], [sflag:$0x1] =	stream.indirect.gather @!p1 [hbm4b:s1+s12], $0x80, s11, s12, $0xb8;
	[tilespmem:$0x12880] =	vst v63  }
0x6a: {  	_ =	swait.ge [sflag:s22], $0x4000  }
0x6b: {  	[sflag:s22] =	ssyncset.done $0x0  }
0x6c: {  	s17 =	sadd.s32 $0xFFFFF800, s2;
	[sflag:s22] =	ssyncadd.s32 $0xFFFFC000  }
0x6d: {  	[hbm4b:s17+s4] =	stream.linear.scatter [tilespmem:s16], [sflag:$0x6], $0x4000, $0x38;
	[tilespmem:$0x12880] =	vst v63  }
0x6e: {  	_ =	swait.ge [sflag:s23], $0x4000  }
0x6f: {  	[sflag:s23] =	ssyncset.done $0x0  }
0x70: {  	s5 =	sadd.s32 @!p1 $0x280, s0;
	s11 =	simm.s32 @!p1 $0x4C80;
	[sflag:s23] =	ssyncadd.s32 $0xFFFFC000  }
0x71: {  	[tilespmem:s11], [sflag:$0x2] =	stream.indirect.gather @!p1 [hbm4b:s1+s12], $0x80, s5, s12, $0xb8;
	[tilespmem:$0x12880] =	vst v63  }
0x72: {  	_ =	swait.ge [sflag:s24], $0x4000  }
0x73: {  	[sflag:s24] =	ssyncset.done $0x0  }
0x74: {  	[sflag:s24] =	ssyncadd.s32 $0xFFFFC000  }
0x75: {  	[hbm4b:s2+s4] =	stream.linear.scatter [tilespmem:s18], [sflag:$0x7], $0x4000, $0x38;
	[tilespmem:$0x12880] =	vst v63  }
0x76: {  	_ =	swait.ge [sflag:s25], $0x4000  }
0x77: {  	[sflag:s25] =	ssyncset.done $0x0  }
0x78: {  	s0 =	sadd.s32 @!p1 $0x300, s0;
	s2 =	simm.s32 @!p1 $0x8C80;
	[sflag:s25] =	ssyncadd.s32 $0xFFFFC000  }
0x79: {  	[tilespmem:s2], [sflag:$0x3] =	stream.indirect.gather @!p1 [hbm4b:s1+s12], $0x80, s0, s12, $0xb8;
	[tilespmem:$0x12880] =	vst v63  }
0x7a: {  	s31 =	sadd.s32 $0xC000, s31;
	_ =	swait.ge [sflag:s26], $0x4000  }
0x7b: {  	s0 =	sshrl.u32 s31, $0x3;
	[sflag:s26] =	ssyncset.done $0x0  }
0x7c: {  	s0 =	sadd.s32 s3, s0;
	[sflag:s26] =	ssyncadd.s32 $0xFFFFC000  }
0x7d: {  	[hbm4b:s0+s4] =	stream.linear.scatter [tilespmem:s19], [sflag:$0x8], $0x4000, $0x38;
	[tilespmem:$0x12880] =	vst v63  }
0x7e: {  	_ =	swait.ge [sflag:s28], $0x4000  }
0x7f: {  	[sflag:s28] =	ssyncset.done $0x0  }
0x80: {  	[sflag:s28] =	ssyncadd.s32 $0xFFFFC000  }
0x81: {  	_ =	swait.ge [sflag:s29], $0x1C00  }
0x82: {  	[sflag:s29] =	ssyncset.done $0x0  }
0x83: {  	s2 =	simm.s32 @p0 $0x10C80;
	s0 =	simm.s32 @p0 $0x0;
	[sflag:s29] =	ssyncadd.s32 $0xFFFFE400  }
0x84: {  	[hbm4b:s7+s0] =	stream.linear.scatter @p0 [tilespmem:s2], [sflag:$0xA], $0x1800, $0x38;
	[tilespmem:$0x12880] =	vst v63  }
0x85: {  	s0 =	simm.s32 @p0 $0xA  }
0x86: {  	s30 =	sadd.s32 $0x1, s30;
	_ =	swait.ge @p0 [sflag:s0], $0x1800  }
0x87: {  	p1 =	sne.s32 s30, s8;
	[sflag:s0] =	ssyncset.done @p0 $0x0  }
0x88: {  	s2 =	simm.s32 @!p0 $0x10C80;
	[sflag:s0] =	ssyncadd.s32 @p0 $0xFFFFE800;
	s0 =	simm.s32 @!p0 $0x0  }
0x89: {  	[hbm4b:s7+s0] =	stream.linear.scatter @!p0 [tilespmem:s2], [sflag:$0xA], $0x1C00, $0x38;
	[tilespmem:$0x12880] =	vst v63  }
.Ltmp1:
0x8a: {  	_ = 	snop;
	(pc) =	sbr.rel @p1 .LBB2_1-.Ltmp1, $4  }
0x8b: {  	s0 =	simm.s32 @!p0 $0xA  }
0x8c: {  	_ =	swait.ge @!p0 [sflag:s0], $0x1C00  }
0x8d: {  	[sflag:s0] =	ssyncset.done @!p0 $0x0  }
0x8e: {  	[sflag:s0] =	ssyncadd.s32 @!p0 $0xFFFFE400  }
0x8f: {  	_ =	sfence.sel $0x180000  }
0x90: {  	[bflag:$0x0] =	sbarrier.arrive $0xFFFF  }
0x91: {  	_ =	strace $0x90000047  }
0x92: {  	s0 =	stileid.u32;
	[bflag:$0x2] =	sbarrier.arrive $0xFFFF  }
0x93: {  	p0 =	sne.s32 s0, $0x0;
	s0 =	rddreg [dreg:$0x3]  }
0x94: {  	s0 =	sadd.s32 @!p0 $0x100000, s0  }
0x95: {  	[sflag:s0] =	ssyncadd.tile.s32 @!p0 $0x1;
	_ =	shalt  }
.Lfunc_end2:
_tile_overlayer_lowered:
.L_overlay_start_2:
0x96: {  	(tag) =	ssettag $0x2  }
0x97: {  	s0 =	rddreg [dreg:$0x0];
	s2 =	stileid.u32  }
0x98: {  	s1 =	rddreg [dreg:$0x1];
	p0 =	sne.s32 s2, $0x0  }
0x99: {  	s3 =	rddreg [dreg:$0x2];
	[bflag:$0x3] =	sbarrier.arrive $0xFFFF;
	s2 =	simm.s32 @!p0 $0x1C0B  }
0x9a: {  	[timem:s3], [sflag:s2] =	dma.local @!p0 [hbm:s0], s1  }
0x9b: {  	s0 =	simm.s32 @!p0 $0xB  }
0x9c: {  	_ =	swait.ge @!p0 [sflag:s0], s1  }
0x9d: {  	s1 =	ssub.s32 @!p0 $0x0, s1;
	[sflag:s0] =	ssyncset.done @!p0 $0x0  }
0x9e: {  	[sflag:s0] =	ssyncadd.s32 @!p0 s1  }
0x9f: {  	[bflag:$0x3] =	sbarrier.arrive $0xFFFF  }
0xa0: {  	_ =	shalt  }

</sc_bundles>
